<compile_context>
chip_gen: v7x
topology: tpu7x:2x2x1
jax: 0.10.2.dev20260603
libtpu: 0.0.44.dev20260713+nightly
codegen_flags: <defaults>
</compile_context>

<pallas_src>
import functools
import math

import jax
import jax.numpy as jnp
from jax import lax
from jax.experimental import pallas as pl
from jax.experimental.pallas import tpu as pltpu
from jax.experimental.pallas import tpu_sc as plsc

D_MODEL = 128
SCALE = math.sqrt(D_MODEL)
LANES = 16

CHUNK = 128
NBUF = 4
AHEAD = 2


def _make_kernel(B, NC, NS):
    NW = NC * NS
    b_per_w = B // NW
    n_chunks = b_per_w // CHUNK
    assert n_chunks % NBUF == 0 and n_chunks > NBUF

    mesh = plsc.VectorSubcoreMesh(core_axis_name="c", subcore_axis_name="s")

    @functools.partial(
        pl.kernel,
        mesh=mesh,
        out_type=jax.ShapeDtypeStruct((B, D_MODEL), jnp.float32),
        scratch_types=[
            pltpu.VMEM((b_per_w,), jnp.int32),
            pltpu.VMEM((NBUF, CHUNK, D_MODEL), jnp.float32),
        ]
        + [pltpu.SemaphoreType.DMA] * (2 * NBUF),
    )
    def k(x_hbm, w_hbm, out_hbm, idx_v, rows_v, *sems):
        gsem = sems[:NBUF]
        osem = sems[NBUF:]
        wid = lax.axis_index("s") * NC + lax.axis_index("c")
        base = wid * b_per_w
        pltpu.sync_copy(x_hbm.at[pl.ds(base, b_per_w)], idx_v)

        def start_gather(g, b):
            pltpu.async_copy(
                w_hbm.at[idx_v.at[pl.ds(g * CHUNK, CHUNK)]],
                rows_v.at[b],
                gsem[b],
            )

        def wait_gather(b):
            pltpu.make_async_copy(
                w_hbm.at[idx_v.at[pl.ds(0, CHUNK)]], rows_v.at[b], gsem[b]
            ).wait()

        def wait_out(b):
            pltpu.make_async_copy(
                rows_v.at[b], out_hbm.at[pl.ds(base, CHUNK)], osem[b]
            ).wait()

        for g in range(AHEAD):
            start_gather(g, g % NBUF)

        def quad_body(q, _):
            for b in range(NBUF):
                g = q * NBUF + b

                wait_gather(b)

                nb = (b + AHEAD) % NBUF

                @pl.when(g + AHEAD >= NBUF)
                def _():
                    wait_out(nb)

                @pl.when(g + AHEAD < n_chunks)
                def _():
                    start_gather(g + AHEAD, nb)

                @plsc.parallel_loop(0, CHUNK, unroll=4)
                def _(i):
                    for j in range(D_MODEL // LANES):
                        sl = pl.ds(j * LANES, LANES)
                        rows_v[b, i, sl] = rows_v[b, i, sl] * SCALE

                pltpu.async_copy(
                    rows_v.at[b],
                    out_hbm.at[pl.ds(base + g * CHUNK, CHUNK)],
                    osem[b],
                )
            return _

        lax.fori_loop(0, n_chunks // NBUF, quad_body, None)

        for b in range(AHEAD, NBUF):
            wait_out(b)

    return k


def kernel(x, weight):
    B, S = x.shape
    info = plsc.get_sparse_core_info()
    flat = x.reshape(-1).astype(jnp.int32)
    k = _make_kernel(B * S, info.num_cores, info.num_subcores)
    out = k(flat, weight)
    return out.reshape(B, S, D_MODEL)

# --- scband reference (transcript-rebuilt; emitter-appended) ---
"""Pipeline reference for scband-token-embedding-34986803593428 (READ-ONLY COPY).

The authoritative reference and input builder live on the scoring server;
editing this copy changes nothing except your own understanding.
"""

import jax, jax.numpy as jnp
import numpy as np
import math

VOCAB_SIZE = 100000
D_MODEL = 128
BATCH = 4096
SEQ_LEN = 200

def setup_inputs(seed: int = 0) -> dict:
    key = jax.random.key(seed)
    k_idx, k_w = jax.random.split(key)
    x = jax.random.randint(k_idx, (BATCH, SEQ_LEN), 0, VOCAB_SIZE, dtype=jnp.int64 if jax.config.jax_enable_x64 else jnp.int32)
    # nn.init.normal_(weight, mean=0, std=d_model**-0.5)
    weight = jax.random.normal(k_w, (VOCAB_SIZE, D_MODEL), dtype=jnp.float32) * (D_MODEL ** -0.5)
    return {"x": x, "weight": weight}

def reference(x, weight):
    # embedding lookup (gather) followed by sqrt(d_model) scaling
    scale = math.sqrt(D_MODEL)
    emb = jnp.take(weight, x, axis=0)  # (B, S, d_model)
    return emb * scale

if __name__ == "__main__":
    import jax
    _d = setup_inputs()
    print(jax.jit(kernel)(*tuple(_d.values())))

</pallas_src>

<mosaic_0001>
#map = affine_map<(d0, d1) -> (0)>
#map1 = affine_map<(d0, d1) -> (0, 0)>
module attributes {stable_mosaic.version = 14 : i64} {
  func.func @k(%arg0: i32, %arg1: i32, %arg2: memref<819200xi32, #tpu.memory_space<hbm>>, %arg3: memref<100000x128xf32, #tpu.memory_space<hbm>>, %arg4: memref<819200x128xf32, #tpu.memory_space<hbm>>, %arg5: memref<25600xi32, #tpu.memory_space<vmem>>, %arg6: memref<4x128x128xf32, #tpu.memory_space<vmem>>, %arg7: memref<!tpu.dma_semaphore, #tpu.memory_space<semaphore_mem>>, %arg8: memref<!tpu.dma_semaphore, #tpu.memory_space<semaphore_mem>>, %arg9: memref<!tpu.dma_semaphore, #tpu.memory_space<semaphore_mem>>, %arg10: memref<!tpu.dma_semaphore, #tpu.memory_space<semaphore_mem>>, %arg11: memref<!tpu.dma_semaphore, #tpu.memory_space<semaphore_mem>>, %arg12: memref<!tpu.dma_semaphore, #tpu.memory_space<semaphore_mem>>, %arg13: memref<!tpu.dma_semaphore, #tpu.memory_space<semaphore_mem>>, %arg14: memref<!tpu.dma_semaphore, #tpu.memory_space<semaphore_mem>>) attributes {dimension_semantics = [#tpu.dimension_semantics<core_parallel>, #tpu.dimension_semantics<subcore_parallel>], iteration_bounds = array<i64: 2, 16>, scalar_prefetch = 0 : i64, scratch_operands = 10 : i64, tpu.core_type = #tpu.core_type<sc_vector_subcore>, window_params = [{transform_indices = #map}, {transform_indices = #map1}, {transform_indices = #map1}]} {
    %mul3A = arith.constant 2 : i32
    %mul3A_0 = arith.muli %arg1, %mul3A : i32
    %add3A = arith.addi %mul3A_0, %arg0 : i32
    %mul3A_1 = arith.constant 25600 : i32
    %mul3A_2 = arith.muli %add3A, %mul3A_1 : i32
    "tpu.region"() ({
      %run_scoped3A = tpu.sem_alloc : memref<!tpu.dma_semaphore, #tpu.memory_space<semaphore_mem>>
      %dma_start3A_51 = tpu.memref_slice %arg2[%mul3A_2] : memref<819200xi32, #tpu.memory_space<hbm>> -> memref<25600xi32, #tpu.memory_space<hbm>>
      %dma_start3A_52 = tpu.memref_slice %arg2[%mul3A_2] : memref<819200xi32, #tpu.memory_space<hbm>> -> memref<25600xi32, #tpu.memory_space<hbm>>
      tpu.enqueue_dma source(%dma_start3A_52 : memref<25600xi32, #tpu.memory_space<hbm>>) target(%arg5 : memref<25600xi32, #tpu.memory_space<vmem>>) target_semaphore(%run_scoped3A : memref<!tpu.dma_semaphore, #tpu.memory_space<semaphore_mem>>)
      %dma_wait3A_53 = tpu.memref_slice %arg2[%mul3A_2] : memref<819200xi32, #tpu.memory_space<hbm>> -> memref<25600xi32, #tpu.memory_space<hbm>>
      %dma_wait3A_54 = tpu.memref_slice %arg2[%mul3A_2] : memref<819200xi32, #tpu.memory_space<hbm>> -> memref<25600xi32, #tpu.memory_space<hbm>>
      tpu.wait_dma2 semaphore(%run_scoped3A : memref<!tpu.dma_semaphore, #tpu.memory_space<semaphore_mem>>) src(%dma_wait3A_54 : memref<25600xi32, #tpu.memory_space<hbm>>) dst(%arg5 : memref<25600xi32, #tpu.memory_space<vmem>>)
      tpu.yield
    }) : () -> ()
    %dma_start3A = arith.constant 0 : i32
    %dma_start3A_3 = arith.constant 0 : i32
    %dma_start3A_4 = arith.constant 0 : i32
    %dma_start3A_5 = tpu.memref_slice %arg6[%dma_start3A, %dma_start3A_3, %dma_start3A_4] : memref<4x128x128xf32, #tpu.memory_space<vmem>> -> memref<1x128x128xf32, #tpu.memory_space<vmem>>
    %dma_start3A_6 = tpu.memref_squeeze %dma_start3A_5 : memref<1x128x128xf32, #tpu.memory_space<vmem>> -> memref<128x128xf32, #tpu.memory_space<vmem>>
    %dma_start3A_7 = arith.constant 0 : i32
    %dma_start3A_8 = tpu.memref_slice %arg5[%dma_start3A_7] : memref<25600xi32, #tpu.memory_space<vmem>> -> memref<128xi32, #tpu.memory_space<vmem>>
    %dma_start3A_9 = arith.constant 0 : i32
    %dma_start3A_10 = arith.constant 0 : i32
    %dma_start3A_11 = tpu.memref_slice %arg3[%dma_start3A_9, %dma_start3A_10] : memref<100000x128xf32, #tpu.memory_space<hbm>> -> memref<100000x128xf32, #tpu.memory_space<hbm>>
    tpu.enqueue_indirect_dma source(%dma_start3A_11 : memref<100000x128xf32, #tpu.memory_space<hbm>>) target(%dma_start3A_6 : memref<128x128xf32, #tpu.memory_space<vmem>>) offsets(%dma_start3A_8 : memref<128xi32, #tpu.memory_space<vmem>>) semaphore(%arg7 : memref<!tpu.dma_semaphore, #tpu.memory_space<semaphore_mem>>)
    %dma_start3A_12 = arith.constant 1 : i32
    %dma_start3A_13 = arith.constant 0 : i32
    %dma_start3A_14 = arith.constant 0 : i32
    %dma_start3A_15 = tpu.memref_slice %arg6[%dma_start3A_12, %dma_start3A_13, %dma_start3A_14] : memref<4x128x128xf32, #tpu.memory_space<vmem>> -> memref<1x128x128xf32, #tpu.memory_space<vmem>>
    %dma_start3A_16 = tpu.memref_squeeze %dma_start3A_15 : memref<1x128x128xf32, #tpu.memory_space<vmem>> -> memref<128x128xf32, #tpu.memory_space<vmem>>
    %dma_start3A_17 = arith.constant 128 : i32
    %dma_start3A_18 = tpu.memref_slice %arg5[%dma_start3A_17] : memref<25600xi32, #tpu.memory_space<vmem>> -> memref<128xi32, #tpu.memory_space<vmem>>
    %dma_start3A_19 = arith.constant 0 : i32
    %dma_start3A_20 = arith.constant 0 : i32
    %dma_start3A_21 = tpu.memref_slice %arg3[%dma_start3A_19, %dma_start3A_20] : memref<100000x128xf32, #tpu.memory_space<hbm>> -> memref<100000x128xf32, #tpu.memory_space<hbm>>
    tpu.enqueue_indirect_dma source(%dma_start3A_21 : memref<100000x128xf32, #tpu.memory_space<hbm>>) target(%dma_start3A_16 : memref<128x128xf32, #tpu.memory_space<vmem>>) offsets(%dma_start3A_18 : memref<128xi32, #tpu.memory_space<vmem>>) semaphore(%arg8 : memref<!tpu.dma_semaphore, #tpu.memory_space<semaphore_mem>>)
    %scan3A = arith.constant 0 : i32
    %scan3A_22 = arith.constant 50 : i32
    %scan3A_23 = arith.addi %scan3A, %scan3A_22 : i32
    %scan3A_24 = arith.constant 1 : i32
    scf.for %scan3A_51 = %scan3A to %scan3A_23 step %scan3A_24  : i32 {
      %mul3A_52 = arith.constant 4 : i32
      %mul3A_53 = arith.muli %scan3A_51, %mul3A_52 : i32
      %add3A_54 = arith.constant 0 : i32
      %add3A_55 = arith.addi %mul3A_53, %add3A_54 : i32
      %dma_wait3A_56 = arith.constant 0 : i32
      %dma_wait3A_57 = arith.constant 0 : i32
      %dma_wait3A_58 = arith.constant 0 : i32
      %dma_wait3A_59 = tpu.memref_slice %arg6[%dma_wait3A_56, %dma_wait3A_57, %dma_wait3A_58] : memref<4x128x128xf32, #tpu.memory_space<vmem>> -> memref<1x128x128xf32, #tpu.memory_space<vmem>>
      %dma_wait3A_60 = tpu.memref_squeeze %dma_wait3A_59 : memref<1x128x128xf32, #tpu.memory_space<vmem>> -> memref<128x128xf32, #tpu.memory_space<vmem>>
      %dma_wait3A_61 = arith.constant 0 : i32
      %dma_wait3A_62 = tpu.memref_slice %arg5[%dma_wait3A_61] : memref<25600xi32, #tpu.memory_space<vmem>> -> memref<128xi32, #tpu.memory_space<vmem>>
      %dma_wait3A_63 = arith.constant 0 : i32
      %dma_wait3A_64 = arith.constant 0 : i32
      %dma_wait3A_65 = tpu.memref_slice %arg3[%dma_wait3A_63, %dma_wait3A_64] : memref<100000x128xf32, #tpu.memory_space<hbm>> -> memref<100000x128xf32, #tpu.memory_space<hbm>>
      tpu.wait_indirect_dma semaphore(%arg7 : memref<!tpu.dma_semaphore, #tpu.memory_space<semaphore_mem>>) src(%dma_wait3A_65 : memref<100000x128xf32, #tpu.memory_space<hbm>>) dst(%dma_wait3A_60 : memref<128x128xf32, #tpu.memory_space<vmem>>)
      %add3A_66 = arith.constant 2 : i32
      %add3A_67 = arith.addi %add3A_55, %add3A_66 : i32
      %ge3A = arith.constant 4 : i32
      %ge3A_68 = arith.cmpi sge, %add3A_67, %ge3A : i32
      %convert_element_type3A = arith.extui %ge3A_68 : i1 to i32
      %cond3A = arith.constant 0 : i32
      %cond3A_69 = arith.cmpi ne, %convert_element_type3A, %cond3A : i32
      scf.if %cond3A_69 {
        %dma_wait3A_235 = arith.constant 2 : i32
        %dma_wait3A_236 = arith.constant 0 : i32
        %dma_wait3A_237 = arith.constant 0 : i32
        %dma_wait3A_238 = tpu.memref_slice %arg6[%dma_wait3A_235, %dma_wait3A_236, %dma_wait3A_237] : memref<4x128x128xf32, #tpu.memory_space<vmem>> -> memref<1x128x128xf32, #tpu.memory_space<vmem>>
        %dma_wait3A_239 = tpu.memref_squeeze %dma_wait3A_238 : memref<1x128x128xf32, #tpu.memory_space<vmem>> -> memref<128x128xf32, #tpu.memory_space<vmem>>
        %dma_wait3A_240 = arith.constant 0 : i32
        %dma_wait3A_241 = tpu.memref_slice %arg4[%mul3A_2, %dma_wait3A_240] : memref<819200x128xf32, #tpu.memory_space<hbm>> -> memref<128x128xf32, #tpu.memory_space<hbm>>
        %dma_wait3A_242 = arith.constant 0 : i32
        %dma_wait3A_243 = tpu.memref_slice %arg4[%mul3A_2, %dma_wait3A_242] : memref<819200x128xf32, #tpu.memory_space<hbm>> -> memref<128x128xf32, #tpu.memory_space<hbm>>
        %dma_wait3A_244 = arith.constant 0 : i32
        %dma_wait3A_245 = arith.constant 0 : i32
        %dma_wait3A_246 = tpu.memref_slice %arg6[%dma_wait3A_235, %dma_wait3A_244, %dma_wait3A_245] : memref<4x128x128xf32, #tpu.memory_space<vmem>> -> memref<1x128x128xf32, #tpu.memory_space<vmem>>
        %dma_wait3A_247 = tpu.memref_squeeze %dma_wait3A_246 : memref<1x128x128xf32, #tpu.memory_space<vmem>> -> memref<128x128xf32, #tpu.memory_space<vmem>>
        tpu.wait_dma2 semaphore(%arg13 : memref<!tpu.dma_semaphore, #tpu.memory_space<semaphore_mem>>) src(%dma_wait3A_247 : memref<128x128xf32, #tpu.memory_space<vmem>>) dst(%dma_wait3A_243 : memref<128x128xf32, #tpu.memory_space<hbm>>)
      } else {
      }
      %add3A_70 = arith.constant 2 : i32
      %add3A_71 = arith.addi %add3A_55, %add3A_70 : i32
      %lt3A = arith.constant 200 : i32
      %lt3A_72 = arith.cmpi slt, %add3A_71, %lt3A : i32
      %convert_element_type3A_73 = arith.extui %lt3A_72 : i1 to i32
      %cond3A_74 = arith.constant 0 : i32
      %cond3A_75 = arith.cmpi ne, %convert_element_type3A_73, %cond3A_74 : i32
      scf.if %cond3A_75 {
        %add3A_235 = arith.constant 2 : i32
        %add3A_236 = arith.addi %add3A_55, %add3A_235 : i32
        %mul3A_237 = arith.constant 128 : i32
        %mul3A_238 = arith.muli %add3A_236, %mul3A_237 : i32
        %dma_start3A_239 = arith.constant 2 : i32
        %dma_start3A_240 = arith.constant 0 : i32
        %dma_start3A_241 = arith.constant 0 : i32
        %dma_start3A_242 = tpu.memref_slice %arg6[%dma_start3A_239, %dma_start3A_240, %dma_start3A_241] : memref<4x128x128xf32, #tpu.memory_space<vmem>> -> memref<1x128x128xf32, #tpu.memory_space<vmem>>
        %dma_start3A_243 = tpu.memref_squeeze %dma_start3A_242 : memref<1x128x128xf32, #tpu.memory_space<vmem>> -> memref<128x128xf32, #tpu.memory_space<vmem>>
        %dma_start3A_244 = tpu.memref_slice %arg5[%mul3A_238] : memref<25600xi32, #tpu.memory_space<vmem>> -> memref<128xi32, #tpu.memory_space<vmem>>
        %dma_start3A_245 = arith.constant 0 : i32
        %dma_start3A_246 = arith.constant 0 : i32
        %dma_start3A_247 = tpu.memref_slice %arg3[%dma_start3A_245, %dma_start3A_246] : memref<100000x128xf32, #tpu.memory_space<hbm>> -> memref<100000x128xf32, #tpu.memory_space<hbm>>
        tpu.enqueue_indirect_dma source(%dma_start3A_247 : memref<100000x128xf32, #tpu.memory_space<hbm>>) target(%dma_start3A_243 : memref<128x128xf32, #tpu.memory_space<vmem>>) offsets(%dma_start3A_244 : memref<128xi32, #tpu.memory_space<vmem>>) semaphore(%arg9 : memref<!tpu.dma_semaphore, #tpu.memory_space<semaphore_mem>>)
      } else {
      }
      %parallel_loop3A = arith.constant 0 : i32
      %parallel_loop3A_76 = arith.constant 128 : i32
      %parallel_loop3A_77 = arith.constant 1 : i32
      scf.for %parallel_loop3A_235 = %parallel_loop3A to %parallel_loop3A_76 step %parallel_loop3A_77  : i32 {
        %parallel_loop3A_236 = arith.constant 0 : i32
        %parallel_loop3A_237 = arith.index_cast %parallel_loop3A_236 : i32 to index
        %parallel_loop3A_238 = arith.index_cast %parallel_loop3A_235 : i32 to index
        %parallel_loop3A_239 = arith.constant 0 : index
        %parallel_loop3A_240 = tpu.vector_load %arg6[%parallel_loop3A_237, %parallel_loop3A_238, %parallel_loop3A_239] {strides = array<i32>} : memref<4x128x128xf32, #tpu.memory_space<vmem>>, vector<1x1x16xf32>,
        %parallel_loop3A_241 = vector.shape_cast %parallel_loop3A_240 : vector<1x1x16xf32> to vector<16xf32>
        %parallel_loop3A_242 = arith.constant 11.3137083 : f32
        %parallel_loop3A_243 = vector.broadcast %parallel_loop3A_242 : f32 to vector<16xf32>
        %parallel_loop3A_244 = arith.mulf %parallel_loop3A_241, %parallel_loop3A_243 : vector<16xf32>
        %parallel_loop3A_245 = arith.constant 0 : i32
        %parallel_loop3A_246 = arith.index_cast %parallel_loop3A_245 : i32 to index
        %parallel_loop3A_247 = arith.index_cast %parallel_loop3A_235 : i32 to index
        %parallel_loop3A_248 = arith.constant 0 : index
        %parallel_loop3A_249 = tpu.vector_load %arg6[%parallel_loop3A_246, %parallel_loop3A_247, %parallel_loop3A_248] {strides = array<i32>} : memref<4x128x128xf32, #tpu.memory_space<vmem>>, vector<1x1x16xf32>,
        %parallel_loop3A_250 = vector.shape_cast %parallel_loop3A_249 : vector<1x1x16xf32> to vector<16xf32>
        %parallel_loop3A_251 = vector.shape_cast %parallel_loop3A_244 : vector<16xf32> to vector<1x1x16xf32>
        tpu.vector_store %arg6[%parallel_loop3A_246, %parallel_loop3A_247, %parallel_loop3A_248], %parallel_loop3A_251 {strides = array<i32>} : memref<4x128x128xf32, #tpu.memory_space<vmem>>, vector<1x1x16xf32>,
        %parallel_loop3A_252 = arith.constant 0 : i32
        %parallel_loop3A_253 = arith.index_cast %parallel_loop3A_252 : i32 to index
        %parallel_loop3A_254 = arith.index_cast %parallel_loop3A_235 : i32 to index
        %parallel_loop3A_255 = arith.constant 16 : index
        %parallel_loop3A_256 = tpu.vector_load %arg6[%parallel_loop3A_253, %parallel_loop3A_254, %parallel_loop3A_255] {strides = array<i32>} : memref<4x128x128xf32, #tpu.memory_space<vmem>>, vector<1x1x16xf32>,
        %parallel_loop3A_257 = vector.shape_cast %parallel_loop3A_256 : vector<1x1x16xf32> to vector<16xf32>
        %parallel_loop3A_258 = arith.constant 11.3137083 : f32
        %parallel_loop3A_259 = vector.broadcast %parallel_loop3A_258 : f32 to vector<16xf32>
        %parallel_loop3A_260 = arith.mulf %parallel_loop3A_257, %parallel_loop3A_259 : vector<16xf32>
        %parallel_loop3A_261 = arith.constant 0 : i32
        %parallel_loop3A_262 = arith.index_cast %parallel_loop3A_261 : i32 to index
        %parallel_loop3A_263 = arith.index_cast %parallel_loop3A_235 : i32 to index
        %parallel_loop3A_264 = arith.constant 16 : index
        %parallel_loop3A_265 = tpu.vector_load %arg6[%parallel_loop3A_262, %parallel_loop3A_263, %parallel_loop3A_264] {strides = array<i32>} : memref<4x128x128xf32, #tpu.memory_space<vmem>>, vector<1x1x16xf32>,
        %parallel_loop3A_266 = vector.shape_cast %parallel_loop3A_265 : vector<1x1x16xf32> to vector<16xf32>
        %parallel_loop3A_267 = vector.shape_cast %parallel_loop3A_260 : vector<16xf32> to vector<1x1x16xf32>
        tpu.vector_store %arg6[%parallel_loop3A_262, %parallel_loop3A_263, %parallel_loop3A_264], %parallel_loop3A_267 {strides = array<i32>} : memref<4x128x128xf32, #tpu.memory_space<vmem>>, vector<1x1x16xf32>,
        %parallel_loop3A_268 = arith.constant 0 : i32
        %parallel_loop3A_269 = arith.index_cast %parallel_loop3A_268 : i32 to index
        %parallel_loop3A_270 = arith.index_cast %parallel_loop3A_235 : i32 to index
        %parallel_loop3A_271 = arith.constant 32 : index
        %parallel_loop3A_272 = tpu.vector_load %arg6[%parallel_loop3A_269, %parallel_loop3A_270, %parallel_loop3A_271] {strides = array<i32>} : memref<4x128x128xf32, #tpu.memory_space<vmem>>, vector<1x1x16xf32>,
        %parallel_loop3A_273 = vector.shape_cast %parallel_loop3A_272 : vector<1x1x16xf32> to vector<16xf32>
        %parallel_loop3A_274 = arith.constant 11.3137083 : f32
        %parallel_loop3A_275 = vector.broadcast %parallel_loop3A_274 : f32 to vector<16xf32>
        %parallel_loop3A_276 = arith.mulf %parallel_loop3A_273, %parallel_loop3A_275 : vector<16xf32>
        %parallel_loop3A_277 = arith.constant 0 : i32
        %parallel_loop3A_278 = arith.index_cast %parallel_loop3A_277 : i32 to index
        %parallel_loop3A_279 = arith.index_cast %parallel_loop3A_235 : i32 to index
        %parallel_loop3A_280 = arith.constant 32 : index
        %parallel_loop3A_281 = tpu.vector_load %arg6[%parallel_loop3A_278, %parallel_loop3A_279, %parallel_loop3A_280] {strides = array<i32>} : memref<4x128x128xf32, #tpu.memory_space<vmem>>, vector<1x1x16xf32>,
        %parallel_loop3A_282 = vector.shape_cast %parallel_loop3A_281 : vector<1x1x16xf32> to vector<16xf32>
        %parallel_loop3A_283 = vector.shape_cast %parallel_loop3A_276 : vector<16xf32> to vector<1x1x16xf32>
        tpu.vector_store %arg6[%parallel_loop3A_278, %parallel_loop3A_279, %parallel_loop3A_280], %parallel_loop3A_283 {strides = array<i32>} : memref<4x128x128xf32, #tpu.memory_space<vmem>>, vector<1x1x16xf32>,
        %parallel_loop3A_284 = arith.constant 0 : i32
        %parallel_loop3A_285 = arith.index_cast %parallel_loop3A_284 : i32 to index
        %parallel_loop3A_286 = arith.index_cast %parallel_loop3A_235 : i32 to index
        %parallel_loop3A_287 = arith.constant 48 : index
        %parallel_loop3A_288 = tpu.vector_load %arg6[%parallel_loop3A_285, %parallel_loop3A_286, %parallel_loop3A_287] {strides = array<i32>} : memref<4x128x128xf32, #tpu.memory_space<vmem>>, vector<1x1x16xf32>,
        %parallel_loop3A_289 = vector.shape_cast %parallel_loop3A_288 : vector<1x1x16xf32> to vector<16xf32>
        %parallel_loop3A_290 = arith.constant 11.3137083 : f32
        %parallel_loop3A_291 = vector.broadcast %parallel_loop3A_290 : f32 to vector<16xf32>
        %parallel_loop3A_292 = arith.mulf %parallel_loop3A_289, %parallel_loop3A_291 : vector<16xf32>
        %parallel_loop3A_293 = arith.constant 0 : i32
        %parallel_loop3A_294 = arith.index_cast %parallel_loop3A_293 : i32 to index
        %parallel_loop3A_295 = arith.index_cast %parallel_loop3A_235 : i32 to index
        %parallel_loop3A_296 = arith.constant 48 : index
        %parallel_loop3A_297 = tpu.vector_load %arg6[%parallel_loop3A_294, %parallel_loop3A_295, %parallel_loop3A_296] {strides = array<i32>} : memref<4x128x128xf32, #tpu.memory_space<vmem>>, vector<1x1x16xf32>,
        %parallel_loop3A_298 = vector.shape_cast %parallel_loop3A_297 : vector<1x1x16xf32> to vector<16xf32>
        %parallel_loop3A_299 = vector.shape_cast %parallel_loop3A_292 : vector<16xf32> to vector<1x1x16xf32>
        tpu.vector_store %arg6[%parallel_loop3A_294, %parallel_loop3A_295, %parallel_loop3A_296], %parallel_loop3A_299 {strides = array<i32>} : memref<4x128x128xf32, #tpu.memory_space<vmem>>, vector<1x1x16xf32>,
        %parallel_loop3A_300 = arith.constant 0 : i32
        %parallel_loop3A_301 = arith.index_cast %parallel_loop3A_300 : i32 to index
        %parallel_loop3A_302 = arith.index_cast %parallel_loop3A_235 : i32 to index
        %parallel_loop3A_303 = arith.constant 64 : index
        %parallel_loop3A_304 = tpu.vector_load %arg6[%parallel_loop3A_301, %parallel_loop3A_302, %parallel_loop3A_303] {strides = array<i32>} : memref<4x128x128xf32, #tpu.memory_space<vmem>>, vector<1x1x16xf32>,
        %parallel_loop3A_305 = vector.shape_cast %parallel_loop3A_304 : vector<1x1x16xf32> to vector<16xf32>
        %parallel_loop3A_306 = arith.constant 11.3137083 : f32
        %parallel_loop3A_307 = vector.broadcast %parallel_loop3A_306 : f32 to vector<16xf32>
        %parallel_loop3A_308 = arith.mulf %parallel_loop3A_305, %parallel_loop3A_307 : vector<16xf32>
        %parallel_loop3A_309 = arith.constant 0 : i32
        %parallel_loop3A_310 = arith.index_cast %parallel_loop3A_309 : i32 to index
        %parallel_loop3A_311 = arith.index_cast %parallel_loop3A_235 : i32 to index
        %parallel_loop3A_312 = arith.constant 64 : index
        %parallel_loop3A_313 = tpu.vector_load %arg6[%parallel_loop3A_310, %parallel_loop3A_311, %parallel_loop3A_312] {strides = array<i32>} : memref<4x128x128xf32, #tpu.memory_space<vmem>>, vector<1x1x16xf32>,
        %parallel_loop3A_314 = vector.shape_cast %parallel_loop3A_313 : vector<1x1x16xf32> to vector<16xf32>
        %parallel_loop3A_315 = vector.shape_cast %parallel_loop3A_308 : vector<16xf32> to vector<1x1x16xf32>
        tpu.vector_store %arg6[%parallel_loop3A_310, %parallel_loop3A_311, %parallel_loop3A_312], %parallel_loop3A_315 {strides = array<i32>} : memref<4x128x128xf32, #tpu.memory_space<vmem>>, vector<1x1x16xf32>,
        %parallel_loop3A_316 = arith.constant 0 : i32
        %parallel_loop3A_317 = arith.index_cast %parallel_loop3A_316 : i32 to index
        %parallel_loop3A_318 = arith.index_cast %parallel_loop3A_235 : i32 to index
        %parallel_loop3A_319 = arith.constant 80 : index
        %parallel_loop3A_320 = tpu.vector_load %arg6[%parallel_loop3A_317, %parallel_loop3A_318, %parallel_loop3A_319] {strides = array<i32>} : memref<4x128x128xf32, #tpu.memory_space<vmem>>, vector<1x1x16xf32>,
        %parallel_loop3A_321 = vector.shape_cast %parallel_loop3A_320 : vector<1x1x16xf32> to vector<16xf32>
        %parallel_loop3A_322 = arith.constant 11.3137083 : f32
        %parallel_loop3A_323 = vector.broadcast %parallel_loop3A_322 : f32 to vector<16xf32>
        %parallel_loop3A_324 = arith.mulf %parallel_loop3A_321, %parallel_loop3A_323 : vector<16xf32>
        %parallel_loop3A_325 = arith.constant 0 : i32
        %parallel_loop3A_326 = arith.index_cast %parallel_loop3A_325 : i32 to index
        %parallel_loop3A_327 = arith.index_cast %parallel_loop3A_235 : i32 to index
        %parallel_loop3A_328 = arith.constant 80 : index
        %parallel_loop3A_329 = tpu.vector_load %arg6[%parallel_loop3A_326, %parallel_loop3A_327, %parallel_loop3A_328] {strides = array<i32>} : memref<4x128x128xf32, #tpu.memory_space<vmem>>, vector<1x1x16xf32>,
        %parallel_loop3A_330 = vector.shape_cast %parallel_loop3A_329 : vector<1x1x16xf32> to vector<16xf32>
        %parallel_loop3A_331 = vector.shape_cast %parallel_loop3A_324 : vector<16xf32> to vector<1x1x16xf32>
        tpu.vector_store %arg6[%parallel_loop3A_326, %parallel_loop3A_327, %parallel_loop3A_328], %parallel_loop3A_331 {strides = array<i32>} : memref<4x128x128xf32, #tpu.memory_space<vmem>>, vector<1x1x16xf32>,
        %parallel_loop3A_332 = arith.constant 0 : i32
        %parallel_loop3A_333 = arith.index_cast %parallel_loop3A_332 : i32 to index
        %parallel_loop3A_334 = arith.index_cast %parallel_loop3A_235 : i32 to index
        %parallel_loop3A_335 = arith.constant 96 : index
        %parallel_loop3A_336 = tpu.vector_load %arg6[%parallel_loop3A_333, %parallel_loop3A_334, %parallel_loop3A_335] {strides = array<i32>} : memref<4x128x128xf32, #tpu.memory_space<vmem>>, vector<1x1x16xf32>,
        %parallel_loop3A_337 = vector.shape_cast %parallel_loop3A_336 : vector<1x1x16xf32> to vector<16xf32>
        %parallel_loop3A_338 = arith.constant 11.3137083 : f32
        %parallel_loop3A_339 = vector.broadcast %parallel_loop3A_338 : f32 to vector<16xf32>
        %parallel_loop3A_340 = arith.mulf %parallel_loop3A_337, %parallel_loop3A_339 : vector<16xf32>
        %parallel_loop3A_341 = arith.constant 0 : i32
        %parallel_loop3A_342 = arith.index_cast %parallel_loop3A_341 : i32 to index
        %parallel_loop3A_343 = arith.index_cast %parallel_loop3A_235 : i32 to index
        %parallel_loop3A_344 = arith.constant 96 : index
        %parallel_loop3A_345 = tpu.vector_load %arg6[%parallel_loop3A_342, %parallel_loop3A_343, %parallel_loop3A_344] {strides = array<i32>} : memref<4x128x128xf32, #tpu.memory_space<vmem>>, vector<1x1x16xf32>,
        %parallel_loop3A_346 = vector.shape_cast %parallel_loop3A_345 : vector<1x1x16xf32> to vector<16xf32>
        %parallel_loop3A_347 = vector.shape_cast %parallel_loop3A_340 : vector<16xf32> to vector<1x1x16xf32>
        tpu.vector_store %arg6[%parallel_loop3A_342, %parallel_loop3A_343, %parallel_loop3A_344], %parallel_loop3A_347 {strides = array<i32>} : memref<4x128x128xf32, #tpu.memory_space<vmem>>, vector<1x1x16xf32>,
        %parallel_loop3A_348 = arith.constant 0 : i32
        %parallel_loop3A_349 = arith.index_cast %parallel_loop3A_348 : i32 to index
        %parallel_loop3A_350 = arith.index_cast %parallel_loop3A_235 : i32 to index
        %parallel_loop3A_351 = arith.constant 112 : index
        %parallel_loop3A_352 = tpu.vector_load %arg6[%parallel_loop3A_349, %parallel_loop3A_350, %parallel_loop3A_351] {strides = array<i32>} : memref<4x128x128xf32, #tpu.memory_space<vmem>>, vector<1x1x16xf32>,
        %parallel_loop3A_353 = vector.shape_cast %parallel_loop3A_352 : vector<1x1x16xf32> to vector<16xf32>
        %parallel_loop3A_354 = arith.constant 11.3137083 : f32
        %parallel_loop3A_355 = vector.broadcast %parallel_loop3A_354 : f32 to vector<16xf32>
        %parallel_loop3A_356 = arith.mulf %parallel_loop3A_353, %parallel_loop3A_355 : vector<16xf32>
        %parallel_loop3A_357 = arith.constant 0 : i32
        %parallel_loop3A_358 = arith.index_cast %parallel_loop3A_357 : i32 to index
        %parallel_loop3A_359 = arith.index_cast %parallel_loop3A_235 : i32 to index
        %parallel_loop3A_360 = arith.constant 112 : index
        %parallel_loop3A_361 = tpu.vector_load %arg6[%parallel_loop3A_358, %parallel_loop3A_359, %parallel_loop3A_360] {strides = array<i32>} : memref<4x128x128xf32, #tpu.memory_space<vmem>>, vector<1x1x16xf32>,
        %parallel_loop3A_362 = vector.shape_cast %parallel_loop3A_361 : vector<1x1x16xf32> to vector<16xf32>
        %parallel_loop3A_363 = vector.shape_cast %parallel_loop3A_356 : vector<16xf32> to vector<1x1x16xf32>
        tpu.vector_store %arg6[%parallel_loop3A_358, %parallel_loop3A_359, %parallel_loop3A_360], %parallel_loop3A_363 {strides = array<i32>} : memref<4x128x128xf32, #tpu.memory_space<vmem>>, vector<1x1x16xf32>,
      } {sc.loop_unroll_factor = 4 : i64, sc.parallel_access}
      %mul3A_78 = arith.constant 128 : i32
      %mul3A_79 = arith.muli %add3A_55, %mul3A_78 : i32
      %add3A_80 = arith.addi %mul3A_2, %mul3A_79 : i32
      %dma_start3A_81 = arith.constant 0 : i32
      %dma_start3A_82 = arith.constant 0 : i32
      %dma_start3A_83 = arith.constant 0 : i32
      %dma_start3A_84 = tpu.memref_slice %arg6[%dma_start3A_81, %dma_start3A_82, %dma_start3A_83] : memref<4x128x128xf32, #tpu.memory_space<vmem>> -> memref<1x128x128xf32, #tpu.memory_space<vmem>>
      %dma_start3A_85 = tpu.memref_squeeze %dma_start3A_84 : memref<1x128x128xf32, #tpu.memory_space<vmem>> -> memref<128x128xf32, #tpu.memory_space<vmem>>
      %dma_start3A_86 = arith.constant 0 : i32
      %dma_start3A_87 = tpu.memref_slice %arg4[%add3A_80, %dma_start3A_86] : memref<819200x128xf32, #tpu.memory_space<hbm>> -> memref<128x128xf32, #tpu.memory_space<hbm>>
      %dma_start3A_88 = arith.constant 0 : i32
      %dma_start3A_89 = tpu.memref_slice %arg4[%add3A_80, %dma_start3A_88] : memref<819200x128xf32, #tpu.memory_space<hbm>> -> memref<128x128xf32, #tpu.memory_space<hbm>>
      %dma_start3A_90 = arith.constant 0 : i32
      %dma_start3A_91 = arith.constant 0 : i32
      %dma_start3A_92 = tpu.memref_slice %arg6[%dma_start3A_81, %dma_start3A_90, %dma_start3A_91] : memref<4x128x128xf32, #tpu.memory_space<vmem>> -> memref<1x128x128xf32, #tpu.memory_space<vmem>>
      %dma_start3A_93 = tpu.memref_squeeze %dma_start3A_92 : memref<1x128x128xf32, #tpu.memory_space<vmem>> -> memref<128x128xf32, #tpu.memory_space<vmem>>
      tpu.enqueue_dma source(%dma_start3A_93 : memref<128x128xf32, #tpu.memory_space<vmem>>) target(%dma_start3A_89 : memref<128x128xf32, #tpu.memory_space<hbm>>) target_semaphore(%arg11 : memref<!tpu.dma_semaphore, #tpu.memory_space<semaphore_mem>>)
      %mul3A_94 = arith.constant 4 : i32
      %mul3A_95 = arith.muli %scan3A_51, %mul3A_94 : i32
      %add3A_96 = arith.constant 1 : i32
      %add3A_97 = arith.addi %mul3A_95, %add3A_96 : i32
      %dma_wait3A_98 = arith.constant 1 : i32
      %dma_wait3A_99 = arith.constant 0 : i32
      %dma_wait3A_100 = arith.constant 0 : i32
      %dma_wait3A_101 = tpu.memref_slice %arg6[%dma_wait3A_98, %dma_wait3A_99, %dma_wait3A_100] : memref<4x128x128xf32, #tpu.memory_space<vmem>> -> memref<1x128x128xf32, #tpu.memory_space<vmem>>
      %dma_wait3A_102 = tpu.memref_squeeze %dma_wait3A_101 : memref<1x128x128xf32, #tpu.memory_space<vmem>> -> memref<128x128xf32, #tpu.memory_space<vmem>>
      %dma_wait3A_103 = arith.constant 0 : i32
      %dma_wait3A_104 = tpu.memref_slice %arg5[%dma_wait3A_103] : memref<25600xi32, #tpu.memory_space<vmem>> -> memref<128xi32, #tpu.memory_space<vmem>>
      %dma_wait3A_105 = arith.constant 0 : i32
      %dma_wait3A_106 = arith.constant 0 : i32
      %dma_wait3A_107 = tpu.memref_slice %arg3[%dma_wait3A_105, %dma_wait3A_106] : memref<100000x128xf32, #tpu.memory_space<hbm>> -> memref<100000x128xf32, #tpu.memory_space<hbm>>
      tpu.wait_indirect_dma semaphore(%arg8 : memref<!tpu.dma_semaphore, #tpu.memory_space<semaphore_mem>>) src(%dma_wait3A_107 : memref<100000x128xf32, #tpu.memory_space<hbm>>) dst(%dma_wait3A_102 : memref<128x128xf32, #tpu.memory_space<vmem>>)
      %add3A_108 = arith.constant 2 : i32
      %add3A_109 = arith.addi %add3A_97, %add3A_108 : i32
      %ge3A_110 = arith.constant 4 : i32
      %ge3A_111 = arith.cmpi sge, %add3A_109, %ge3A_110 : i32
      %convert_element_type3A_112 = arith.extui %ge3A_111 : i1 to i32
      %cond3A_113 = arith.constant 0 : i32
      %cond3A_114 = arith.cmpi ne, %convert_element_type3A_112, %cond3A_113 : i32
      scf.if %cond3A_114 {
        %dma_wait3A_235 = arith.constant 3 : i32
        %dma_wait3A_236 = arith.constant 0 : i32
        %dma_wait3A_237 = arith.constant 0 : i32
        %dma_wait3A_238 = tpu.memref_slice %arg6[%dma_wait3A_235, %dma_wait3A_236, %dma_wait3A_237] : memref<4x128x128xf32, #tpu.memory_space<vmem>> -> memref<1x128x128xf32, #tpu.memory_space<vmem>>
        %dma_wait3A_239 = tpu.memref_squeeze %dma_wait3A_238 : memref<1x128x128xf32, #tpu.memory_space<vmem>> -> memref<128x128xf32, #tpu.memory_space<vmem>>
        %dma_wait3A_240 = arith.constant 0 : i32
        %dma_wait3A_241 = tpu.memref_slice %arg4[%mul3A_2, %dma_wait3A_240] : memref<819200x128xf32, #tpu.memory_space<hbm>> -> memref<128x128xf32, #tpu.memory_space<hbm>>
        %dma_wait3A_242 = arith.constant 0 : i32
        %dma_wait3A_243 = tpu.memref_slice %arg4[%mul3A_2, %dma_wait3A_242] : memref<819200x128xf32, #tpu.memory_space<hbm>> -> memref<128x128xf32, #tpu.memory_space<hbm>>
        %dma_wait3A_244 = arith.constant 0 : i32
        %dma_wait3A_245 = arith.constant 0 : i32
        %dma_wait3A_246 = tpu.memref_slice %arg6[%dma_wait3A_235, %dma_wait3A_244, %dma_wait3A_245] : memref<4x128x128xf32, #tpu.memory_space<vmem>> -> memref<1x128x128xf32, #tpu.memory_space<vmem>>
        %dma_wait3A_247 = tpu.memref_squeeze %dma_wait3A_246 : memref<1x128x128xf32, #tpu.memory_space<vmem>> -> memref<128x128xf32, #tpu.memory_space<vmem>>
        tpu.wait_dma2 semaphore(%arg14 : memref<!tpu.dma_semaphore, #tpu.memory_space<semaphore_mem>>) src(%dma_wait3A_247 : memref<128x128xf32, #tpu.memory_space<vmem>>) dst(%dma_wait3A_243 : memref<128x128xf32, #tpu.memory_space<hbm>>)
      } else {
      }
      %add3A_115 = arith.constant 2 : i32
      %add3A_116 = arith.addi %add3A_97, %add3A_115 : i32
      %lt3A_117 = arith.constant 200 : i32
      %lt3A_118 = arith.cmpi slt, %add3A_116, %lt3A_117 : i32
      %convert_element_type3A_119 = arith.extui %lt3A_118 : i1 to i32
      %cond3A_120 = arith.constant 0 : i32
      %cond3A_121 = arith.cmpi ne, %convert_element_type3A_119, %cond3A_120 : i32
      scf.if %cond3A_121 {
        %add3A_235 = arith.constant 2 : i32
        %add3A_236 = arith.addi %add3A_97, %add3A_235 : i32
        %mul3A_237 = arith.constant 128 : i32
        %mul3A_238 = arith.muli %add3A_236, %mul3A_237 : i32
        %dma_start3A_239 = arith.constant 3 : i32
        %dma_start3A_240 = arith.constant 0 : i32
        %dma_start3A_241 = arith.constant 0 : i32
        %dma_start3A_242 = tpu.memref_slice %arg6[%dma_start3A_239, %dma_start3A_240, %dma_start3A_241] : memref<4x128x128xf32, #tpu.memory_space<vmem>> -> memref<1x128x128xf32, #tpu.memory_space<vmem>>
        %dma_start3A_243 = tpu.memref_squeeze %dma_start3A_242 : memref<1x128x128xf32, #tpu.memory_space<vmem>> -> memref<128x128xf32, #tpu.memory_space<vmem>>
        %dma_start3A_244 = tpu.memref_slice %arg5[%mul3A_238] : memref<25600xi32, #tpu.memory_space<vmem>> -> memref<128xi32, #tpu.memory_space<vmem>>
        %dma_start3A_245 = arith.constant 0 : i32
        %dma_start3A_246 = arith.constant 0 : i32
        %dma_start3A_247 = tpu.memref_slice %arg3[%dma_start3A_245, %dma_start3A_246] : memref<100000x128xf32, #tpu.memory_space<hbm>> -> memref<100000x128xf32, #tpu.memory_space<hbm>>
        tpu.enqueue_indirect_dma source(%dma_start3A_247 : memref<100000x128xf32, #tpu.memory_space<hbm>>) target(%dma_start3A_243 : memref<128x128xf32, #tpu.memory_space<vmem>>) offsets(%dma_start3A_244 : memref<128xi32, #tpu.memory_space<vmem>>) semaphore(%arg10 : memref<!tpu.dma_semaphore, #tpu.memory_space<semaphore_mem>>)
      } else {
      }
      %parallel_loop3A_122 = arith.constant 0 : i32
      %parallel_loop3A_123 = arith.constant 128 : i32
      %parallel_loop3A_124 = arith.constant 1 : i32
      scf.for %parallel_loop3A_235 = %parallel_loop3A_122 to %parallel_loop3A_123 step %parallel_loop3A_124  : i32 {
        %parallel_loop3A_236 = arith.constant 1 : i32
        %parallel_loop3A_237 = arith.index_cast %parallel_loop3A_236 : i32 to index
        %parallel_loop3A_238 = arith.index_cast %parallel_loop3A_235 : i32 to index
        %parallel_loop3A_239 = arith.constant 0 : index
        %parallel_loop3A_240 = tpu.vector_load %arg6[%parallel_loop3A_237, %parallel_loop3A_238, %parallel_loop3A_239] {strides = array<i32>} : memref<4x128x128xf32, #tpu.memory_space<vmem>>, vector<1x1x16xf32>,
        %parallel_loop3A_241 = vector.shape_cast %parallel_loop3A_240 : vector<1x1x16xf32> to vector<16xf32>
        %parallel_loop3A_242 = arith.constant 11.3137083 : f32
        %parallel_loop3A_243 = vector.broadcast %parallel_loop3A_242 : f32 to vector<16xf32>
        %parallel_loop3A_244 = arith.mulf %parallel_loop3A_241, %parallel_loop3A_243 : vector<16xf32>
        %parallel_loop3A_245 = arith.constant 1 : i32
        %parallel_loop3A_246 = arith.index_cast %parallel_loop3A_245 : i32 to index
        %parallel_loop3A_247 = arith.index_cast %parallel_loop3A_235 : i32 to index
        %parallel_loop3A_248 = arith.constant 0 : index
        %parallel_loop3A_249 = tpu.vector_load %arg6[%parallel_loop3A_246, %parallel_loop3A_247, %parallel_loop3A_248] {strides = array<i32>} : memref<4x128x128xf32, #tpu.memory_space<vmem>>, vector<1x1x16xf32>,
        %parallel_loop3A_250 = vector.shape_cast %parallel_loop3A_249 : vector<1x1x16xf32> to vector<16xf32>
        %parallel_loop3A_251 = vector.shape_cast %parallel_loop3A_244 : vector<16xf32> to vector<1x1x16xf32>
        tpu.vector_store %arg6[%parallel_loop3A_246, %parallel_loop3A_247, %parallel_loop3A_248], %parallel_loop3A_251 {strides = array<i32>} : memref<4x128x128xf32, #tpu.memory_space<vmem>>, vector<1x1x16xf32>,
        %parallel_loop3A_252 = arith.constant 1 : i32
        %parallel_loop3A_253 = arith.index_cast %parallel_loop3A_252 : i32 to index
        %parallel_loop3A_254 = arith.index_cast %parallel_loop3A_235 : i32 to index
        %parallel_loop3A_255 = arith.constant 16 : index
        %parallel_loop3A_256 = tpu.vector_load %arg6[%parallel_loop3A_253, %parallel_loop3A_254, %parallel_loop3A_255] {strides = array<i32>} : memref<4x128x128xf32, #tpu.memory_space<vmem>>, vector<1x1x16xf32>,
        %parallel_loop3A_257 = vector.shape_cast %parallel_loop3A_256 : vector<1x1x16xf32> to vector<16xf32>
        %parallel_loop3A_258 = arith.constant 11.3137083 : f32
        %parallel_loop3A_259 = vector.broadcast %parallel_loop3A_258 : f32 to vector<16xf32>
        %parallel_loop3A_260 = arith.mulf %parallel_loop3A_257, %parallel_loop3A_259 : vector<16xf32>
        %parallel_loop3A_261 = arith.constant 1 : i32
        %parallel_loop3A_262 = arith.index_cast %parallel_loop3A_261 : i32 to index
        %parallel_loop3A_263 = arith.index_cast %parallel_loop3A_235 : i32 to index
        %parallel_loop3A_264 = arith.constant 16 : index
        %parallel_loop3A_265 = tpu.vector_load %arg6[%parallel_loop3A_262, %parallel_loop3A_263, %parallel_loop3A_264] {strides = array<i32>} : memref<4x128x128xf32, #tpu.memory_space<vmem>>, vector<1x1x16xf32>,
        %parallel_loop3A_266 = vector.shape_cast %parallel_loop3A_265 : vector<1x1x16xf32> to vector<16xf32>
        %parallel_loop3A_267 = vector.shape_cast %parallel_loop3A_260 : vector<16xf32> to vector<1x1x16xf32>
        tpu.vector_store %arg6[%parallel_loop3A_262, %parallel_loop3A_263, %parallel_loop3A_264], %parallel_loop3A_267 {strides = array<i32>} : memref<4x128x128xf32, #tpu.memory_space<vmem>>, vector<1x1x16xf32>,
        %parallel_loop3A_268 = arith.constant 1 : i32
        %parallel_loop3A_269 = arith.index_cast %parallel_loop3A_268 : i32 to index
        %parallel_loop3A_270 = arith.index_cast %parallel_loop3A_235 : i32 to index
        %parallel_loop3A_271 = arith.constant 32 : index
        %parallel_loop3A_272 = tpu.vector_load %arg6[%parallel_loop3A_269, %parallel_loop3A_270, %parallel_loop3A_271] {strides = array<i32>} : memref<4x128x128xf32, #tpu.memory_space<vmem>>, vector<1x1x16xf32>,
        %parallel_loop3A_273 = vector.shape_cast %parallel_loop3A_272 : vector<1x1x16xf32> to vector<16xf32>
        %parallel_loop3A_274 = arith.constant 11.3137083 : f32
        %parallel_loop3A_275 = vector.broadcast %parallel_loop3A_274 : f32 to vector<16xf32>
        %parallel_loop3A_276 = arith.mulf %parallel_loop3A_273, %parallel_loop3A_275 : vector<16xf32>
        %parallel_loop3A_277 = arith.constant 1 : i32
        %parallel_loop3A_278 = arith.index_cast %parallel_loop3A_277 : i32 to index
        %parallel_loop3A_279 = arith.index_cast %parallel_loop3A_235 : i32 to index
        %parallel_loop3A_280 = arith.constant 32 : index
        %parallel_loop3A_281 = tpu.vector_load %arg6[%parallel_loop3A_278, %parallel_loop3A_279, %parallel_loop3A_280] {strides = array<i32>} : memref<4x128x128xf32, #tpu.memory_space<vmem>>, vector<1x1x16xf32>,
        %parallel_loop3A_282 = vector.shape_cast %parallel_loop3A_281 : vector<1x1x16xf32> to vector<16xf32>
        %parallel_loop3A_283 = vector.shape_cast %parallel_loop3A_276 : vector<16xf32> to vector<1x1x16xf32>
        tpu.vector_store %arg6[%parallel_loop3A_278, %parallel_loop3A_279, %parallel_loop3A_280], %parallel_loop3A_283 {strides = array<i32>} : memref<4x128x128xf32, #tpu.memory_space<vmem>>, vector<1x1x16xf32>,
        %parallel_loop3A_284 = arith.constant 1 : i32
        %parallel_loop3A_285 = arith.index_cast %parallel_loop3A_284 : i32 to index
        %parallel_loop3A_286 = arith.index_cast %parallel_loop3A_235 : i32 to index
        %parallel_loop3A_287 = arith.constant 48 : index
        %parallel_loop3A_288 = tpu.vector_load %arg6[%parallel_loop3A_285, %parallel_loop3A_286, %parallel_loop3A_287] {strides = array<i32>} : memref<4x128x128xf32, #tpu.memory_space<vmem>>, vector<1x1x16xf32>,
        %parallel_loop3A_289 = vector.shape_cast %parallel_loop3A_288 : vector<1x1x16xf32> to vector<16xf32>
        %parallel_loop3A_290 = arith.constant 11.3137083 : f32
        %parallel_loop3A_291 = vector.broadcast %parallel_loop3A_290 : f32 to vector<16xf32>
        %parallel_loop3A_292 = arith.mulf %parallel_loop3A_289, %parallel_loop3A_291 : vector<16xf32>
        %parallel_loop3A_293 = arith.constant 1 : i32
        %parallel_loop3A_294 = arith.index_cast %parallel_loop3A_293 : i32 to index
        %parallel_loop3A_295 = arith.index_cast %parallel_loop3A_235 : i32 to index
        %parallel_loop3A_296 = arith.constant 48 : index
        %parallel_loop3A_297 = tpu.vector_load %arg6[%parallel_loop3A_294, %parallel_loop3A_295, %parallel_loop3A_296] {strides = array<i32>} : memref<4x128x128xf32, #tpu.memory_space<vmem>>, vector<1x1x16xf32>,
        %parallel_loop3A_298 = vector.shape_cast %parallel_loop3A_297 : vector<1x1x16xf32> to vector<16xf32>
        %parallel_loop3A_299 = vector.shape_cast %parallel_loop3A_292 : vector<16xf32> to vector<1x1x16xf32>
        tpu.vector_store %arg6[%parallel_loop3A_294, %parallel_loop3A_295, %parallel_loop3A_296], %parallel_loop3A_299 {strides = array<i32>} : memref<4x128x128xf32, #tpu.memory_space<vmem>>, vector<1x1x16xf32>,
        %parallel_loop3A_300 = arith.constant 1 : i32
        %parallel_loop3A_301 = arith.index_cast %parallel_loop3A_300 : i32 to index
        %parallel_loop3A_302 = arith.index_cast %parallel_loop3A_235 : i32 to index
        %parallel_loop3A_303 = arith.constant 64 : index
        %parallel_loop3A_304 = tpu.vector_load %arg6[%parallel_loop3A_301, %parallel_loop3A_302, %parallel_loop3A_303] {strides = array<i32>} : memref<4x128x128xf32, #tpu.memory_space<vmem>>, vector<1x1x16xf32>,
        %parallel_loop3A_305 = vector.shape_cast %parallel_loop3A_304 : vector<1x1x16xf32> to vector<16xf32>
        %parallel_loop3A_306 = arith.constant 11.3137083 : f32
        %parallel_loop3A_307 = vector.broadcast %parallel_loop3A_306 : f32 to vector<16xf32>
        %parallel_loop3A_308 = arith.mulf %parallel_loop3A_305, %parallel_loop3A_307 : vector<16xf32>
        %parallel_loop3A_309 = arith.constant 1 : i32
        %parallel_loop3A_310 = arith.index_cast %parallel_loop3A_309 : i32 to index
        %parallel_loop3A_311 = arith.index_cast %parallel_loop3A_235 : i32 to index
        %parallel_loop3A_312 = arith.constant 64 : index
        %parallel_loop3A_313 = tpu.vector_load %arg6[%parallel_loop3A_310, %parallel_loop3A_311, %parallel_loop3A_312] {strides = array<i32>} : memref<4x128x128xf32, #tpu.memory_space<vmem>>, vector<1x1x16xf32>,
        %parallel_loop3A_314 = vector.shape_cast %parallel_loop3A_313 : vector<1x1x16xf32> to vector<16xf32>
        %parallel_loop3A_315 = vector.shape_cast %parallel_loop3A_308 : vector<16xf32> to vector<1x1x16xf32>
        tpu.vector_store %arg6[%parallel_loop3A_310, %parallel_loop3A_311, %parallel_loop3A_312], %parallel_loop3A_315 {strides = array<i32>} : memref<4x128x128xf32, #tpu.memory_space<vmem>>, vector<1x1x16xf32>,
        %parallel_loop3A_316 = arith.constant 1 : i32
        %parallel_loop3A_317 = arith.index_cast %parallel_loop3A_316 : i32 to index
        %parallel_loop3A_318 = arith.index_cast %parallel_loop3A_235 : i32 to index
        %parallel_loop3A_319 = arith.constant 80 : index
        %parallel_loop3A_320 = tpu.vector_load %arg6[%parallel_loop3A_317, %parallel_loop3A_318, %parallel_loop3A_319] {strides = array<i32>} : memref<4x128x128xf32, #tpu.memory_space<vmem>>, vector<1x1x16xf32>,
        %parallel_loop3A_321 = vector.shape_cast %parallel_loop3A_320 : vector<1x1x16xf32> to vector<16xf32>
        %parallel_loop3A_322 = arith.constant 11.3137083 : f32
        %parallel_loop3A_323 = vector.broadcast %parallel_loop3A_322 : f32 to vector<16xf32>
        %parallel_loop3A_324 = arith.mulf %parallel_loop3A_321, %parallel_loop3A_323 : vector<16xf32>
        %parallel_loop3A_325 = arith.constant 1 : i32
        %parallel_loop3A_326 = arith.index_cast %parallel_loop3A_325 : i32 to index
        %parallel_loop3A_327 = arith.index_cast %parallel_loop3A_235 : i32 to index
        %parallel_loop3A_328 = arith.constant 80 : index
        %parallel_loop3A_329 = tpu.vector_load %arg6[%parallel_loop3A_326, %parallel_loop3A_327, %parallel_loop3A_328] {strides = array<i32>} : memref<4x128x128xf32, #tpu.memory_space<vmem>>, vector<1x1x16xf32>,
        %parallel_loop3A_330 = vector.shape_cast %parallel_loop3A_329 : vector<1x1x16xf32> to vector<16xf32>
        %parallel_loop3A_331 = vector.shape_cast %parallel_loop3A_324 : vector<16xf32> to vector<1x1x16xf32>
        tpu.vector_store %arg6[%parallel_loop3A_326, %parallel_loop3A_327, %parallel_loop3A_328], %parallel_loop3A_331 {strides = array<i32>} : memref<4x128x128xf32, #tpu.memory_space<vmem>>, vector<1x1x16xf32>,
        %parallel_loop3A_332 = arith.constant 1 : i32
        %parallel_loop3A_333 = arith.index_cast %parallel_loop3A_332 : i32 to index
        %parallel_loop3A_334 = arith.index_cast %parallel_loop3A_235 : i32 to index
        %parallel_loop3A_335 = arith.constant 96 : index
        %parallel_loop3A_336 = tpu.vector_load %arg6[%parallel_loop3A_333, %parallel_loop3A_334, %parallel_loop3A_335] {strides = array<i32>} : memref<4x128x128xf32, #tpu.memory_space<vmem>>, vector<1x1x16xf32>,
        %parallel_loop3A_337 = vector.shape_cast %parallel_loop3A_336 : vector<1x1x16xf32> to vector<16xf32>
        %parallel_loop3A_338 = arith.constant 11.3137083 : f32
        %parallel_loop3A_339 = vector.broadcast %parallel_loop3A_338 : f32 to vector<16xf32>
        %parallel_loop3A_340 = arith.mulf %parallel_loop3A_337, %parallel_loop3A_339 : vector<16xf32>
        %parallel_loop3A_341 = arith.constant 1 : i32
        %parallel_loop3A_342 = arith.index_cast %parallel_loop3A_341 : i32 to index
        %parallel_loop3A_343 = arith.index_cast %parallel_loop3A_235 : i32 to index
        %parallel_loop3A_344 = arith.constant 96 : index
        %parallel_loop3A_345 = tpu.vector_load %arg6[%parallel_loop3A_342, %parallel_loop3A_343, %parallel_loop3A_344] {strides = array<i32>} : memref<4x128x128xf32, #tpu.memory_space<vmem>>, vector<1x1x16xf32>,
        %parallel_loop3A_346 = vector.shape_cast %parallel_loop3A_345 : vector<1x1x16xf32> to vector<16xf32>
        %parallel_loop3A_347 = vector.shape_cast %parallel_loop3A_340 : vector<16xf32> to vector<1x1x16xf32>
        tpu.vector_store %arg6[%parallel_loop3A_342, %parallel_loop3A_343, %parallel_loop3A_344], %parallel_loop3A_347 {strides = array<i32>} : memref<4x128x128xf32, #tpu.memory_space<vmem>>, vector<1x1x16xf32>,
        %parallel_loop3A_348 = arith.constant 1 : i32
        %parallel_loop3A_349 = arith.index_cast %parallel_loop3A_348 : i32 to index
        %parallel_loop3A_350 = arith.index_cast %parallel_loop3A_235 : i32 to index
        %parallel_loop3A_351 = arith.constant 112 : index
        %parallel_loop3A_352 = tpu.vector_load %arg6[%parallel_loop3A_349, %parallel_loop3A_350, %parallel_loop3A_351] {strides = array<i32>} : memref<4x128x128xf32, #tpu.memory_space<vmem>>, vector<1x1x16xf32>,
        %parallel_loop3A_353 = vector.shape_cast %parallel_loop3A_352 : vector<1x1x16xf32> to vector<16xf32>
        %parallel_loop3A_354 = arith.constant 11.3137083 : f32
        %parallel_loop3A_355 = vector.broadcast %parallel_loop3A_354 : f32 to vector<16xf32>
        %parallel_loop3A_356 = arith.mulf %parallel_loop3A_353, %parallel_loop3A_355 : vector<16xf32>
        %parallel_loop3A_357 = arith.constant 1 : i32
        %parallel_loop3A_358 = arith.index_cast %parallel_loop3A_357 : i32 to index
        %parallel_loop3A_359 = arith.index_cast %parallel_loop3A_235 : i32 to index
        %parallel_loop3A_360 = arith.constant 112 : index
        %parallel_loop3A_361 = tpu.vector_load %arg6[%parallel_loop3A_358, %parallel_loop3A_359, %parallel_loop3A_360] {strides = array<i32>} : memref<4x128x128xf32, #tpu.memory_space<vmem>>, vector<1x1x16xf32>,
        %parallel_loop3A_362 = vector.shape_cast %parallel_loop3A_361 : vector<1x1x16xf32> to vector<16xf32>
        %parallel_loop3A_363 = vector.shape_cast %parallel_loop3A_356 : vector<16xf32> to vector<1x1x16xf32>
        tpu.vector_store %arg6[%parallel_loop3A_358, %parallel_loop3A_359, %parallel_loop3A_360], %parallel_loop3A_363 {strides = array<i32>} : memref<4x128x128xf32, #tpu.memory_space<vmem>>, vector<1x1x16xf32>,
      } {sc.loop_unroll_factor = 4 : i64, sc.parallel_access}
      %mul3A_125 = arith.constant 128 : i32
      %mul3A_126 = arith.muli %add3A_97, %mul3A_125 : i32
      %add3A_127 = arith.addi %mul3A_2, %mul3A_126 : i32
      %dma_start3A_128 = arith.constant 1 : i32
      %dma_start3A_129 = arith.constant 0 : i32
      %dma_start3A_130 = arith.constant 0 : i32
      %dma_start3A_131 = tpu.memref_slice %arg6[%dma_start3A_128, %dma_start3A_129, %dma_start3A_130] : memref<4x128x128xf32, #tpu.memory_space<vmem>> -> memref<1x128x128xf32, #tpu.memory_space<vmem>>
      %dma_start3A_132 = tpu.memref_squeeze %dma_start3A_131 : memref<1x128x128xf32, #tpu.memory_space<vmem>> -> memref<128x128xf32, #tpu.memory_space<vmem>>
      %dma_start3A_133 = arith.constant 0 : i32
      %dma_start3A_134 = tpu.memref_slice %arg4[%add3A_127, %dma_start3A_133] : memref<819200x128xf32, #tpu.memory_space<hbm>> -> memref<128x128xf32, #tpu.memory_space<hbm>>
      %dma_start3A_135 = arith.constant 0 : i32
      %dma_start3A_136 = tpu.memref_slice %arg4[%add3A_127, %dma_start3A_135] : memref<819200x128xf32, #tpu.memory_space<hbm>> -> memref<128x128xf32, #tpu.memory_space<hbm>>
      %dma_start3A_137 = arith.constant 0 : i32
      %dma_start3A_138 = arith.constant 0 : i32
      %dma_start3A_139 = tpu.memref_slice %arg6[%dma_start3A_128, %dma_start3A_137, %dma_start3A_138] : memref<4x128x128xf32, #tpu.memory_space<vmem>> -> memref<1x128x128xf32, #tpu.memory_space<vmem>>
      %dma_start3A_140 = tpu.memref_squeeze %dma_start3A_139 : memref<1x128x128xf32, #tpu.memory_space<vmem>> -> memref<128x128xf32, #tpu.memory_space<vmem>>
      tpu.enqueue_dma source(%dma_start3A_140 : memref<128x128xf32, #tpu.memory_space<vmem>>) target(%dma_start3A_136 : memref<128x128xf32, #tpu.memory_space<hbm>>) target_semaphore(%arg12 : memref<!tpu.dma_semaphore, #tpu.memory_space<semaphore_mem>>)
      %mul3A_141 = arith.constant 4 : i32
      %mul3A_142 = arith.muli %scan3A_51, %mul3A_141 : i32
      %add3A_143 = arith.constant 2 : i32
      %add3A_144 = arith.addi %mul3A_142, %add3A_143 : i32
      %dma_wait3A_145 = arith.constant 2 : i32
      %dma_wait3A_146 = arith.constant 0 : i32
      %dma_wait3A_147 = arith.constant 0 : i32
      %dma_wait3A_148 = tpu.memref_slice %arg6[%dma_wait3A_145, %dma_wait3A_146, %dma_wait3A_147] : memref<4x128x128xf32, #tpu.memory_space<vmem>> -> memref<1x128x128xf32, #tpu.memory_space<vmem>>
      %dma_wait3A_149 = tpu.memref_squeeze %dma_wait3A_148 : memref<1x128x128xf32, #tpu.memory_space<vmem>> -> memref<128x128xf32, #tpu.memory_space<vmem>>
      %dma_wait3A_150 = arith.constant 0 : i32
      %dma_wait3A_151 = tpu.memref_slice %arg5[%dma_wait3A_150] : memref<25600xi32, #tpu.memory_space<vmem>> -> memref<128xi32, #tpu.memory_space<vmem>>
      %dma_wait3A_152 = arith.constant 0 : i32
      %dma_wait3A_153 = arith.constant 0 : i32
      %dma_wait3A_154 = tpu.memref_slice %arg3[%dma_wait3A_152, %dma_wait3A_153] : memref<100000x128xf32, #tpu.memory_space<hbm>> -> memref<100000x128xf32, #tpu.memory_space<hbm>>
      tpu.wait_indirect_dma semaphore(%arg9 : memref<!tpu.dma_semaphore, #tpu.memory_space<semaphore_mem>>) src(%dma_wait3A_154 : memref<100000x128xf32, #tpu.memory_space<hbm>>) dst(%dma_wait3A_149 : memref<128x128xf32, #tpu.memory_space<vmem>>)
      %add3A_155 = arith.constant 2 : i32
      %add3A_156 = arith.addi %add3A_144, %add3A_155 : i32
      %ge3A_157 = arith.constant 4 : i32
      %ge3A_158 = arith.cmpi sge, %add3A_156, %ge3A_157 : i32
      %convert_element_type3A_159 = arith.extui %ge3A_158 : i1 to i32
      %cond3A_160 = arith.constant 0 : i32
      %cond3A_161 = arith.cmpi ne, %convert_element_type3A_159, %cond3A_160 : i32
      scf.if %cond3A_161 {
        %dma_wait3A_235 = arith.constant 0 : i32
        %dma_wait3A_236 = arith.constant 0 : i32
        %dma_wait3A_237 = arith.constant 0 : i32
        %dma_wait3A_238 = tpu.memref_slice %arg6[%dma_wait3A_235, %dma_wait3A_236, %dma_wait3A_237] : memref<4x128x128xf32, #tpu.memory_space<vmem>> -> memref<1x128x128xf32, #tpu.memory_space<vmem>>
        %dma_wait3A_239 = tpu.memref_squeeze %dma_wait3A_238 : memref<1x128x128xf32, #tpu.memory_space<vmem>> -> memref<128x128xf32, #tpu.memory_space<vmem>>
        %dma_wait3A_240 = arith.constant 0 : i32
        %dma_wait3A_241 = tpu.memref_slice %arg4[%mul3A_2, %dma_wait3A_240] : memref<819200x128xf32, #tpu.memory_space<hbm>> -> memref<128x128xf32, #tpu.memory_space<hbm>>
        %dma_wait3A_242 = arith.constant 0 : i32
        %dma_wait3A_243 = tpu.memref_slice %arg4[%mul3A_2, %dma_wait3A_242] : memref<819200x128xf32, #tpu.memory_space<hbm>> -> memref<128x128xf32, #tpu.memory_space<hbm>>
        %dma_wait3A_244 = arith.constant 0 : i32
        %dma_wait3A_245 = arith.constant 0 : i32
        %dma_wait3A_246 = tpu.memref_slice %arg6[%dma_wait3A_235, %dma_wait3A_244, %dma_wait3A_245] : memref<4x128x128xf32, #tpu.memory_space<vmem>> -> memref<1x128x128xf32, #tpu.memory_space<vmem>>
        %dma_wait3A_247 = tpu.memref_squeeze %dma_wait3A_246 : memref<1x128x128xf32, #tpu.memory_space<vmem>> -> memref<128x128xf32, #tpu.memory_space<vmem>>
        tpu.wait_dma2 semaphore(%arg11 : memref<!tpu.dma_semaphore, #tpu.memory_space<semaphore_mem>>) src(%dma_wait3A_247 : memref<128x128xf32, #tpu.memory_space<vmem>>) dst(%dma_wait3A_243 : memref<128x128xf32, #tpu.memory_space<hbm>>)
      } else {
      }
      %add3A_162 = arith.constant 2 : i32
      %add3A_163 = arith.addi %add3A_144, %add3A_162 : i32
      %lt3A_164 = arith.constant 200 : i32
      %lt3A_165 = arith.cmpi slt, %add3A_163, %lt3A_164 : i32
      %convert_element_type3A_166 = arith.extui %lt3A_165 : i1 to i32
      %cond3A_167 = arith.constant 0 : i32
      %cond3A_168 = arith.cmpi ne, %convert_element_type3A_166, %cond3A_167 : i32
      scf.if %cond3A_168 {
        %add3A_235 = arith.constant 2 : i32
        %add3A_236 = arith.addi %add3A_144, %add3A_235 : i32
        %mul3A_237 = arith.constant 128 : i32
        %mul3A_238 = arith.muli %add3A_236, %mul3A_237 : i32
        %dma_start3A_239 = arith.constant 0 : i32
        %dma_start3A_240 = arith.constant 0 : i32
        %dma_start3A_241 = arith.constant 0 : i32
        %dma_start3A_242 = tpu.memref_slice %arg6[%dma_start3A_239, %dma_start3A_240, %dma_start3A_241] : memref<4x128x128xf32, #tpu.memory_space<vmem>> -> memref<1x128x128xf32, #tpu.memory_space<vmem>>
        %dma_start3A_243 = tpu.memref_squeeze %dma_start3A_242 : memref<1x128x128xf32, #tpu.memory_space<vmem>> -> memref<128x128xf32, #tpu.memory_space<vmem>>
        %dma_start3A_244 = tpu.memref_slice %arg5[%mul3A_238] : memref<25600xi32, #tpu.memory_space<vmem>> -> memref<128xi32, #tpu.memory_space<vmem>>
        %dma_start3A_245 = arith.constant 0 : i32
        %dma_start3A_246 = arith.constant 0 : i32
        %dma_start3A_247 = tpu.memref_slice %arg3[%dma_start3A_245, %dma_start3A_246] : memref<100000x128xf32, #tpu.memory_space<hbm>> -> memref<100000x128xf32, #tpu.memory_space<hbm>>
        tpu.enqueue_indirect_dma source(%dma_start3A_247 : memref<100000x128xf32, #tpu.memory_space<hbm>>) target(%dma_start3A_243 : memref<128x128xf32, #tpu.memory_space<vmem>>) offsets(%dma_start3A_244 : memref<128xi32, #tpu.memory_space<vmem>>) semaphore(%arg7 : memref<!tpu.dma_semaphore, #tpu.memory_space<semaphore_mem>>)
      } else {
      }
      %parallel_loop3A_169 = arith.constant 0 : i32
      %parallel_loop3A_170 = arith.constant 128 : i32
      %parallel_loop3A_171 = arith.constant 1 : i32
      scf.for %parallel_loop3A_235 = %parallel_loop3A_169 to %parallel_loop3A_170 step %parallel_loop3A_171  : i32 {
        %parallel_loop3A_236 = arith.constant 2 : i32
        %parallel_loop3A_237 = arith.index_cast %parallel_loop3A_236 : i32 to index
        %parallel_loop3A_238 = arith.index_cast %parallel_loop3A_235 : i32 to index
        %parallel_loop3A_239 = arith.constant 0 : index
        %parallel_loop3A_240 = tpu.vector_load %arg6[%parallel_loop3A_237, %parallel_loop3A_238, %parallel_loop3A_239] {strides = array<i32>} : memref<4x128x128xf32, #tpu.memory_space<vmem>>, vector<1x1x16xf32>,
        %parallel_loop3A_241 = vector.shape_cast %parallel_loop3A_240 : vector<1x1x16xf32> to vector<16xf32>
        %parallel_loop3A_242 = arith.constant 11.3137083 : f32
        %parallel_loop3A_243 = vector.broadcast %parallel_loop3A_242 : f32 to vector<16xf32>
        %parallel_loop3A_244 = arith.mulf %parallel_loop3A_241, %parallel_loop3A_243 : vector<16xf32>
        %parallel_loop3A_245 = arith.constant 2 : i32
        %parallel_loop3A_246 = arith.index_cast %parallel_loop3A_245 : i32 to index
        %parallel_loop3A_247 = arith.index_cast %parallel_loop3A_235 : i32 to index
        %parallel_loop3A_248 = arith.constant 0 : index
        %parallel_loop3A_249 = tpu.vector_load %arg6[%parallel_loop3A_246, %parallel_loop3A_247, %parallel_loop3A_248] {strides = array<i32>} : memref<4x128x128xf32, #tpu.memory_space<vmem>>, vector<1x1x16xf32>,
        %parallel_loop3A_250 = vector.shape_cast %parallel_loop3A_249 : vector<1x1x16xf32> to vector<16xf32>
        %parallel_loop3A_251 = vector.shape_cast %parallel_loop3A_244 : vector<16xf32> to vector<1x1x16xf32>
        tpu.vector_store %arg6[%parallel_loop3A_246, %parallel_loop3A_247, %parallel_loop3A_248], %parallel_loop3A_251 {strides = array<i32>} : memref<4x128x128xf32, #tpu.memory_space<vmem>>, vector<1x1x16xf32>,
        %parallel_loop3A_252 = arith.constant 2 : i32
        %parallel_loop3A_253 = arith.index_cast %parallel_loop3A_252 : i32 to index
        %parallel_loop3A_254 = arith.index_cast %parallel_loop3A_235 : i32 to index
        %parallel_loop3A_255 = arith.constant 16 : index
        %parallel_loop3A_256 = tpu.vector_load %arg6[%parallel_loop3A_253, %parallel_loop3A_254, %parallel_loop3A_255] {strides = array<i32>} : memref<4x128x128xf32, #tpu.memory_space<vmem>>, vector<1x1x16xf32>,
        %parallel_loop3A_257 = vector.shape_cast %parallel_loop3A_256 : vector<1x1x16xf32> to vector<16xf32>
        %parallel_loop3A_258 = arith.constant 11.3137083 : f32
        %parallel_loop3A_259 = vector.broadcast %parallel_loop3A_258 : f32 to vector<16xf32>
        %parallel_loop3A_260 = arith.mulf %parallel_loop3A_257, %parallel_loop3A_259 : vector<16xf32>
        %parallel_loop3A_261 = arith.constant 2 : i32
        %parallel_loop3A_262 = arith.index_cast %parallel_loop3A_261 : i32 to index
        %parallel_loop3A_263 = arith.index_cast %parallel_loop3A_235 : i32 to index
        %parallel_loop3A_264 = arith.constant 16 : index
        %parallel_loop3A_265 = tpu.vector_load %arg6[%parallel_loop3A_262, %parallel_loop3A_263, %parallel_loop3A_264] {strides = array<i32>} : memref<4x128x128xf32, #tpu.memory_space<vmem>>, vector<1x1x16xf32>,
        %parallel_loop3A_266 = vector.shape_cast %parallel_loop3A_265 : vector<1x1x16xf32> to vector<16xf32>
        %parallel_loop3A_267 = vector.shape_cast %parallel_loop3A_260 : vector<16xf32> to vector<1x1x16xf32>
        tpu.vector_store %arg6[%parallel_loop3A_262, %parallel_loop3A_263, %parallel_loop3A_264], %parallel_loop3A_267 {strides = array<i32>} : memref<4x128x128xf32, #tpu.memory_space<vmem>>, vector<1x1x16xf32>,
        %parallel_loop3A_268 = arith.constant 2 : i32
        %parallel_loop3A_269 = arith.index_cast %parallel_loop3A_268 : i32 to index
        %parallel_loop3A_270 = arith.index_cast %parallel_loop3A_235 : i32 to index
        %parallel_loop3A_271 = arith.constant 32 : index
        %parallel_loop3A_272 = tpu.vector_load %arg6[%parallel_loop3A_269, %parallel_loop3A_270, %parallel_loop3A_271] {strides = array<i32>} : memref<4x128x128xf32, #tpu.memory_space<vmem>>, vector<1x1x16xf32>,
        %parallel_loop3A_273 = vector.shape_cast %parallel_loop3A_272 : vector<1x1x16xf32> to vector<16xf32>
        %parallel_loop3A_274 = arith.constant 11.3137083 : f32
        %parallel_loop3A_275 = vector.broadcast %parallel_loop3A_274 : f32 to vector<16xf32>
        %parallel_loop3A_276 = arith.mulf %parallel_loop3A_273, %parallel_loop3A_275 : vector<16xf32>
        %parallel_loop3A_277 = arith.constant 2 : i32
        %parallel_loop3A_278 = arith.index_cast %parallel_loop3A_277 : i32 to index
        %parallel_loop3A_279 = arith.index_cast %parallel_loop3A_235 : i32 to index
        %parallel_loop3A_280 = arith.constant 32 : index
        %parallel_loop3A_281 = tpu.vector_load %arg6[%parallel_loop3A_278, %parallel_loop3A_279, %parallel_loop3A_280] {strides = array<i32>} : memref<4x128x128xf32, #tpu.memory_space<vmem>>, vector<1x1x16xf32>,
        %parallel_loop3A_282 = vector.shape_cast %parallel_loop3A_281 : vector<1x1x16xf32> to vector<16xf32>
        %parallel_loop3A_283 = vector.shape_cast %parallel_loop3A_276 : vector<16xf32> to vector<1x1x16xf32>
        tpu.vector_store %arg6[%parallel_loop3A_278, %parallel_loop3A_279, %parallel_loop3A_280], %parallel_loop3A_283 {strides = array<i32>} : memref<4x128x128xf32, #tpu.memory_space<vmem>>, vector<1x1x16xf32>,
        %parallel_loop3A_284 = arith.constant 2 : i32
        %parallel_loop3A_285 = arith.index_cast %parallel_loop3A_284 : i32 to index
        %parallel_loop3A_286 = arith.index_cast %parallel_loop3A_235 : i32 to index
        %parallel_loop3A_287 = arith.constant 48 : index
        %parallel_loop3A_288 = tpu.vector_load %arg6[%parallel_loop3A_285, %parallel_loop3A_286, %parallel_loop3A_287] {strides = array<i32>} : memref<4x128x128xf32, #tpu.memory_space<vmem>>, vector<1x1x16xf32>,
        %parallel_loop3A_289 = vector.shape_cast %parallel_loop3A_288 : vector<1x1x16xf32> to vector<16xf32>
        %parallel_loop3A_290 = arith.constant 11.3137083 : f32
        %parallel_loop3A_291 = vector.broadcast %parallel_loop3A_290 : f32 to vector<16xf32>
        %parallel_loop3A_292 = arith.mulf %parallel_loop3A_289, %parallel_loop3A_291 : vector<16xf32>
        %parallel_loop3A_293 = arith.constant 2 : i32
        %parallel_loop3A_294 = arith.index_cast %parallel_loop3A_293 : i32 to index
        %parallel_loop3A_295 = arith.index_cast %parallel_loop3A_235 : i32 to index
        %parallel_loop3A_296 = arith.constant 48 : index
        %parallel_loop3A_297 = tpu.vector_load %arg6[%parallel_loop3A_294, %parallel_loop3A_295, %parallel_loop3A_296] {strides = array<i32>} : memref<4x128x128xf32, #tpu.memory_space<vmem>>, vector<1x1x16xf32>,
        %parallel_loop3A_298 = vector.shape_cast %parallel_loop3A_297 : vector<1x1x16xf32> to vector<16xf32>
        %parallel_loop3A_299 = vector.shape_cast %parallel_loop3A_292 : vector<16xf32> to vector<1x1x16xf32>
        tpu.vector_store %arg6[%parallel_loop3A_294, %parallel_loop3A_295, %parallel_loop3A_296], %parallel_loop3A_299 {strides = array<i32>} : memref<4x128x128xf32, #tpu.memory_space<vmem>>, vector<1x1x16xf32>,
        %parallel_loop3A_300 = arith.constant 2 : i32
        %parallel_loop3A_301 = arith.index_cast %parallel_loop3A_300 : i32 to index
        %parallel_loop3A_302 = arith.index_cast %parallel_loop3A_235 : i32 to index
        %parallel_loop3A_303 = arith.constant 64 : index
        %parallel_loop3A_304 = tpu.vector_load %arg6[%parallel_loop3A_301, %parallel_loop3A_302, %parallel_loop3A_303] {strides = array<i32>} : memref<4x128x128xf32, #tpu.memory_space<vmem>>, vector<1x1x16xf32>,
        %parallel_loop3A_305 = vector.shape_cast %parallel_loop3A_304 : vector<1x1x16xf32> to vector<16xf32>
        %parallel_loop3A_306 = arith.constant 11.3137083 : f32
        %parallel_loop3A_307 = vector.broadcast %parallel_loop3A_306 : f32 to vector<16xf32>
        %parallel_loop3A_308 = arith.mulf %parallel_loop3A_305, %parallel_loop3A_307 : vector<16xf32>
        %parallel_loop3A_309 = arith.constant 2 : i32
        %parallel_loop3A_310 = arith.index_cast %parallel_loop3A_309 : i32 to index
        %parallel_loop3A_311 = arith.index_cast %parallel_loop3A_235 : i32 to index
        %parallel_loop3A_312 = arith.constant 64 : index
        %parallel_loop3A_313 = tpu.vector_load %arg6[%parallel_loop3A_310, %parallel_loop3A_311, %parallel_loop3A_312] {strides = array<i32>} : memref<4x128x128xf32, #tpu.memory_space<vmem>>, vector<1x1x16xf32>,
        %parallel_loop3A_314 = vector.shape_cast %parallel_loop3A_313 : vector<1x1x16xf32> to vector<16xf32>
        %parallel_loop3A_315 = vector.shape_cast %parallel_loop3A_308 : vector<16xf32> to vector<1x1x16xf32>
        tpu.vector_store %arg6[%parallel_loop3A_310, %parallel_loop3A_311, %parallel_loop3A_312], %parallel_loop3A_315 {strides = array<i32>} : memref<4x128x128xf32, #tpu.memory_space<vmem>>, vector<1x1x16xf32>,
        %parallel_loop3A_316 = arith.constant 2 : i32
        %parallel_loop3A_317 = arith.index_cast %parallel_loop3A_316 : i32 to index
        %parallel_loop3A_318 = arith.index_cast %parallel_loop3A_235 : i32 to index
        %parallel_loop3A_319 = arith.constant 80 : index
        %parallel_loop3A_320 = tpu.vector_load %arg6[%parallel_loop3A_317, %parallel_loop3A_318, %parallel_loop3A_319] {strides = array<i32>} : memref<4x128x128xf32, #tpu.memory_space<vmem>>, vector<1x1x16xf32>,
        %parallel_loop3A_321 = vector.shape_cast %parallel_loop3A_320 : vector<1x1x16xf32> to vector<16xf32>
        %parallel_loop3A_322 = arith.constant 11.3137083 : f32
        %parallel_loop3A_323 = vector.broadcast %parallel_loop3A_322 : f32 to vector<16xf32>
        %parallel_loop3A_324 = arith.mulf %parallel_loop3A_321, %parallel_loop3A_323 : vector<16xf32>
        %parallel_loop3A_325 = arith.constant 2 : i32
        %parallel_loop3A_326 = arith.index_cast %parallel_loop3A_325 : i32 to index
        %parallel_loop3A_327 = arith.index_cast %parallel_loop3A_235 : i32 to index
        %parallel_loop3A_328 = arith.constant 80 : index
        %parallel_loop3A_329 = tpu.vector_load %arg6[%parallel_loop3A_326, %parallel_loop3A_327, %parallel_loop3A_328] {strides = array<i32>} : memref<4x128x128xf32, #tpu.memory_space<vmem>>, vector<1x1x16xf32>,
        %parallel_loop3A_330 = vector.shape_cast %parallel_loop3A_329 : vector<1x1x16xf32> to vector<16xf32>
        %parallel_loop3A_331 = vector.shape_cast %parallel_loop3A_324 : vector<16xf32> to vector<1x1x16xf32>
        tpu.vector_store %arg6[%parallel_loop3A_326, %parallel_loop3A_327, %parallel_loop3A_328], %parallel_loop3A_331 {strides = array<i32>} : memref<4x128x128xf32, #tpu.memory_space<vmem>>, vector<1x1x16xf32>,
        %parallel_loop3A_332 = arith.constant 2 : i32
        %parallel_loop3A_333 = arith.index_cast %parallel_loop3A_332 : i32 to index
        %parallel_loop3A_334 = arith.index_cast %parallel_loop3A_235 : i32 to index
        %parallel_loop3A_335 = arith.constant 96 : index
        %parallel_loop3A_336 = tpu.vector_load %arg6[%parallel_loop3A_333, %parallel_loop3A_334, %parallel_loop3A_335] {strides = array<i32>} : memref<4x128x128xf32, #tpu.memory_space<vmem>>, vector<1x1x16xf32>,
        %parallel_loop3A_337 = vector.shape_cast %parallel_loop3A_336 : vector<1x1x16xf32> to vector<16xf32>
        %parallel_loop3A_338 = arith.constant 11.3137083 : f32
        %parallel_loop3A_339 = vector.broadcast %parallel_loop3A_338 : f32 to vector<16xf32>
        %parallel_loop3A_340 = arith.mulf %parallel_loop3A_337, %parallel_loop3A_339 : vector<16xf32>
        %parallel_loop3A_341 = arith.constant 2 : i32
        %parallel_loop3A_342 = arith.index_cast %parallel_loop3A_341 : i32 to index
        %parallel_loop3A_343 = arith.index_cast %parallel_loop3A_235 : i32 to index
        %parallel_loop3A_344 = arith.constant 96 : index
        %parallel_loop3A_345 = tpu.vector_load %arg6[%parallel_loop3A_342, %parallel_loop3A_343, %parallel_loop3A_344] {strides = array<i32>} : memref<4x128x128xf32, #tpu.memory_space<vmem>>, vector<1x1x16xf32>,
        %parallel_loop3A_346 = vector.shape_cast %parallel_loop3A_345 : vector<1x1x16xf32> to vector<16xf32>
        %parallel_loop3A_347 = vector.shape_cast %parallel_loop3A_340 : vector<16xf32> to vector<1x1x16xf32>
        tpu.vector_store %arg6[%parallel_loop3A_342, %parallel_loop3A_343, %parallel_loop3A_344], %parallel_loop3A_347 {strides = array<i32>} : memref<4x128x128xf32, #tpu.memory_space<vmem>>, vector<1x1x16xf32>,
        %parallel_loop3A_348 = arith.constant 2 : i32
        %parallel_loop3A_349 = arith.index_cast %parallel_loop3A_348 : i32 to index
        %parallel_loop3A_350 = arith.index_cast %parallel_loop3A_235 : i32 to index
        %parallel_loop3A_351 = arith.constant 112 : index
        %parallel_loop3A_352 = tpu.vector_load %arg6[%parallel_loop3A_349, %parallel_loop3A_350, %parallel_loop3A_351] {strides = array<i32>} : memref<4x128x128xf32, #tpu.memory_space<vmem>>, vector<1x1x16xf32>,
        %parallel_loop3A_353 = vector.shape_cast %parallel_loop3A_352 : vector<1x1x16xf32> to vector<16xf32>
        %parallel_loop3A_354 = arith.constant 11.3137083 : f32
        %parallel_loop3A_355 = vector.broadcast %parallel_loop3A_354 : f32 to vector<16xf32>
        %parallel_loop3A_356 = arith.mulf %parallel_loop3A_353, %parallel_loop3A_355 : vector<16xf32>
        %parallel_loop3A_357 = arith.constant 2 : i32
        %parallel_loop3A_358 = arith.index_cast %parallel_loop3A_357 : i32 to index
        %parallel_loop3A_359 = arith.index_cast %parallel_loop3A_235 : i32 to index
        %parallel_loop3A_360 = arith.constant 112 : index
        %parallel_loop3A_361 = tpu.vector_load %arg6[%parallel_loop3A_358, %parallel_loop3A_359, %parallel_loop3A_360] {strides = array<i32>} : memref<4x128x128xf32, #tpu.memory_space<vmem>>, vector<1x1x16xf32>,
        %parallel_loop3A_362 = vector.shape_cast %parallel_loop3A_361 : vector<1x1x16xf32> to vector<16xf32>
        %parallel_loop3A_363 = vector.shape_cast %parallel_loop3A_356 : vector<16xf32> to vector<1x1x16xf32>
        tpu.vector_store %arg6[%parallel_loop3A_358, %parallel_loop3A_359, %parallel_loop3A_360], %parallel_loop3A_363 {strides = array<i32>} : memref<4x128x128xf32, #tpu.memory_space<vmem>>, vector<1x1x16xf32>,
      } {sc.loop_unroll_factor = 4 : i64, sc.parallel_access}
      %mul3A_172 = arith.constant 128 : i32
      %mul3A_173 = arith.muli %add3A_144, %mul3A_172 : i32
      %add3A_174 = arith.addi %mul3A_2, %mul3A_173 : i32
      %dma_start3A_175 = arith.constant 2 : i32
      %dma_start3A_176 = arith.constant 0 : i32
      %dma_start3A_177 = arith.constant 0 : i32
      %dma_start3A_178 = tpu.memref_slice %arg6[%dma_start3A_175, %dma_start3A_176, %dma_start3A_177] : memref<4x128x128xf32, #tpu.memory_space<vmem>> -> memref<1x128x128xf32, #tpu.memory_space<vmem>>
      %dma_start3A_179 = tpu.memref_squeeze %dma_start3A_178 : memref<1x128x128xf32, #tpu.memory_space<vmem>> -> memref<128x128xf32, #tpu.memory_space<vmem>>
      %dma_start3A_180 = arith.constant 0 : i32
      %dma_start3A_181 = tpu.memref_slice %arg4[%add3A_174, %dma_start3A_180] : memref<819200x128xf32, #tpu.memory_space<hbm>> -> memref<128x128xf32, #tpu.memory_space<hbm>>
      %dma_start3A_182 = arith.constant 0 : i32
      %dma_start3A_183 = tpu.memref_slice %arg4[%add3A_174, %dma_start3A_182] : memref<819200x128xf32, #tpu.memory_space<hbm>> -> memref<128x128xf32, #tpu.memory_space<hbm>>
      %dma_start3A_184 = arith.constant 0 : i32
      %dma_start3A_185 = arith.constant 0 : i32
      %dma_start3A_186 = tpu.memref_slice %arg6[%dma_start3A_175, %dma_start3A_184, %dma_start3A_185] : memref<4x128x128xf32, #tpu.memory_space<vmem>> -> memref<1x128x128xf32, #tpu.memory_space<vmem>>
      %dma_start3A_187 = tpu.memref_squeeze %dma_start3A_186 : memref<1x128x128xf32, #tpu.memory_space<vmem>> -> memref<128x128xf32, #tpu.memory_space<vmem>>
      tpu.enqueue_dma source(%dma_start3A_187 : memref<128x128xf32, #tpu.memory_space<vmem>>) target(%dma_start3A_183 : memref<128x128xf32, #tpu.memory_space<hbm>>) target_semaphore(%arg13 : memref<!tpu.dma_semaphore, #tpu.memory_space<semaphore_mem>>)
      %mul3A_188 = arith.constant 4 : i32
      %mul3A_189 = arith.muli %scan3A_51, %mul3A_188 : i32
      %add3A_190 = arith.constant 3 : i32
      %add3A_191 = arith.addi %mul3A_189, %add3A_190 : i32
      %dma_wait3A_192 = arith.constant 3 : i32
      %dma_wait3A_193 = arith.constant 0 : i32
      %dma_wait3A_194 = arith.constant 0 : i32
      %dma_wait3A_195 = tpu.memref_slice %arg6[%dma_wait3A_192, %dma_wait3A_193, %dma_wait3A_194] : memref<4x128x128xf32, #tpu.memory_space<vmem>> -> memref<1x128x128xf32, #tpu.memory_space<vmem>>
      %dma_wait3A_196 = tpu.memref_squeeze %dma_wait3A_195 : memref<1x128x128xf32, #tpu.memory_space<vmem>> -> memref<128x128xf32, #tpu.memory_space<vmem>>
      %dma_wait3A_197 = arith.constant 0 : i32
      %dma_wait3A_198 = tpu.memref_slice %arg5[%dma_wait3A_197] : memref<25600xi32, #tpu.memory_space<vmem>> -> memref<128xi32, #tpu.memory_space<vmem>>
      %dma_wait3A_199 = arith.constant 0 : i32
      %dma_wait3A_200 = arith.constant 0 : i32
      %dma_wait3A_201 = tpu.memref_slice %arg3[%dma_wait3A_199, %dma_wait3A_200] : memref<100000x128xf32, #tpu.memory_space<hbm>> -> memref<100000x128xf32, #tpu.memory_space<hbm>>
      tpu.wait_indirect_dma semaphore(%arg10 : memref<!tpu.dma_semaphore, #tpu.memory_space<semaphore_mem>>) src(%dma_wait3A_201 : memref<100000x128xf32, #tpu.memory_space<hbm>>) dst(%dma_wait3A_196 : memref<128x128xf32, #tpu.memory_space<vmem>>)
      %add3A_202 = arith.constant 2 : i32
      %add3A_203 = arith.addi %add3A_191, %add3A_202 : i32
      %ge3A_204 = arith.constant 4 : i32
      %ge3A_205 = arith.cmpi sge, %add3A_203, %ge3A_204 : i32
      %convert_element_type3A_206 = arith.extui %ge3A_205 : i1 to i32
      %cond3A_207 = arith.constant 0 : i32
      %cond3A_208 = arith.cmpi ne, %convert_element_type3A_206, %cond3A_207 : i32
      scf.if %cond3A_208 {
        %dma_wait3A_235 = arith.constant 1 : i32
        %dma_wait3A_236 = arith.constant 0 : i32
        %dma_wait3A_237 = arith.constant 0 : i32
        %dma_wait3A_238 = tpu.memref_slice %arg6[%dma_wait3A_235, %dma_wait3A_236, %dma_wait3A_237] : memref<4x128x128xf32, #tpu.memory_space<vmem>> -> memref<1x128x128xf32, #tpu.memory_space<vmem>>
        %dma_wait3A_239 = tpu.memref_squeeze %dma_wait3A_238 : memref<1x128x128xf32, #tpu.memory_space<vmem>> -> memref<128x128xf32, #tpu.memory_space<vmem>>
        %dma_wait3A_240 = arith.constant 0 : i32
        %dma_wait3A_241 = tpu.memref_slice %arg4[%mul3A_2, %dma_wait3A_240] : memref<819200x128xf32, #tpu.memory_space<hbm>> -> memref<128x128xf32, #tpu.memory_space<hbm>>
        %dma_wait3A_242 = arith.constant 0 : i32
        %dma_wait3A_243 = tpu.memref_slice %arg4[%mul3A_2, %dma_wait3A_242] : memref<819200x128xf32, #tpu.memory_space<hbm>> -> memref<128x128xf32, #tpu.memory_space<hbm>>
        %dma_wait3A_244 = arith.constant 0 : i32
        %dma_wait3A_245 = arith.constant 0 : i32
        %dma_wait3A_246 = tpu.memref_slice %arg6[%dma_wait3A_235, %dma_wait3A_244, %dma_wait3A_245] : memref<4x128x128xf32, #tpu.memory_space<vmem>> -> memref<1x128x128xf32, #tpu.memory_space<vmem>>
        %dma_wait3A_247 = tpu.memref_squeeze %dma_wait3A_246 : memref<1x128x128xf32, #tpu.memory_space<vmem>> -> memref<128x128xf32, #tpu.memory_space<vmem>>
        tpu.wait_dma2 semaphore(%arg12 : memref<!tpu.dma_semaphore, #tpu.memory_space<semaphore_mem>>) src(%dma_wait3A_247 : memref<128x128xf32, #tpu.memory_space<vmem>>) dst(%dma_wait3A_243 : memref<128x128xf32, #tpu.memory_space<hbm>>)
      } else {
      }
      %add3A_209 = arith.constant 2 : i32
      %add3A_210 = arith.addi %add3A_191, %add3A_209 : i32
      %lt3A_211 = arith.constant 200 : i32
      %lt3A_212 = arith.cmpi slt, %add3A_210, %lt3A_211 : i32
      %convert_element_type3A_213 = arith.extui %lt3A_212 : i1 to i32
      %cond3A_214 = arith.constant 0 : i32
      %cond3A_215 = arith.cmpi ne, %convert_element_type3A_213, %cond3A_214 : i32
      scf.if %cond3A_215 {
        %add3A_235 = arith.constant 2 : i32
        %add3A_236 = arith.addi %add3A_191, %add3A_235 : i32
        %mul3A_237 = arith.constant 128 : i32
        %mul3A_238 = arith.muli %add3A_236, %mul3A_237 : i32
        %dma_start3A_239 = arith.constant 1 : i32
        %dma_start3A_240 = arith.constant 0 : i32
        %dma_start3A_241 = arith.constant 0 : i32
        %dma_start3A_242 = tpu.memref_slice %arg6[%dma_start3A_239, %dma_start3A_240, %dma_start3A_241] : memref<4x128x128xf32, #tpu.memory_space<vmem>> -> memref<1x128x128xf32, #tpu.memory_space<vmem>>
        %dma_start3A_243 = tpu.memref_squeeze %dma_start3A_242 : memref<1x128x128xf32, #tpu.memory_space<vmem>> -> memref<128x128xf32, #tpu.memory_space<vmem>>
        %dma_start3A_244 = tpu.memref_slice %arg5[%mul3A_238] : memref<25600xi32, #tpu.memory_space<vmem>> -> memref<128xi32, #tpu.memory_space<vmem>>
        %dma_start3A_245 = arith.constant 0 : i32
        %dma_start3A_246 = arith.constant 0 : i32
        %dma_start3A_247 = tpu.memref_slice %arg3[%dma_start3A_245, %dma_start3A_246] : memref<100000x128xf32, #tpu.memory_space<hbm>> -> memref<100000x128xf32, #tpu.memory_space<hbm>>
        tpu.enqueue_indirect_dma source(%dma_start3A_247 : memref<100000x128xf32, #tpu.memory_space<hbm>>) target(%dma_start3A_243 : memref<128x128xf32, #tpu.memory_space<vmem>>) offsets(%dma_start3A_244 : memref<128xi32, #tpu.memory_space<vmem>>) semaphore(%arg8 : memref<!tpu.dma_semaphore, #tpu.memory_space<semaphore_mem>>)
      } else {
      }
      %parallel_loop3A_216 = arith.constant 0 : i32
      %parallel_loop3A_217 = arith.constant 128 : i32
      %parallel_loop3A_218 = arith.constant 1 : i32
      scf.for %parallel_loop3A_235 = %parallel_loop3A_216 to %parallel_loop3A_217 step %parallel_loop3A_218  : i32 {
        %parallel_loop3A_236 = arith.constant 3 : i32
        %parallel_loop3A_237 = arith.index_cast %parallel_loop3A_236 : i32 to index
        %parallel_loop3A_238 = arith.index_cast %parallel_loop3A_235 : i32 to index
        %parallel_loop3A_239 = arith.constant 0 : index
        %parallel_loop3A_240 = tpu.vector_load %arg6[%parallel_loop3A_237, %parallel_loop3A_238, %parallel_loop3A_239] {strides = array<i32>} : memref<4x128x128xf32, #tpu.memory_space<vmem>>, vector<1x1x16xf32>,
        %parallel_loop3A_241 = vector.shape_cast %parallel_loop3A_240 : vector<1x1x16xf32> to vector<16xf32>
        %parallel_loop3A_242 = arith.constant 11.3137083 : f32
        %parallel_loop3A_243 = vector.broadcast %parallel_loop3A_242 : f32 to vector<16xf32>
        %parallel_loop3A_244 = arith.mulf %parallel_loop3A_241, %parallel_loop3A_243 : vector<16xf32>
        %parallel_loop3A_245 = arith.constant 3 : i32
        %parallel_loop3A_246 = arith.index_cast %parallel_loop3A_245 : i32 to index
        %parallel_loop3A_247 = arith.index_cast %parallel_loop3A_235 : i32 to index
        %parallel_loop3A_248 = arith.constant 0 : index
        %parallel_loop3A_249 = tpu.vector_load %arg6[%parallel_loop3A_246, %parallel_loop3A_247, %parallel_loop3A_248] {strides = array<i32>} : memref<4x128x128xf32, #tpu.memory_space<vmem>>, vector<1x1x16xf32>,
        %parallel_loop3A_250 = vector.shape_cast %parallel_loop3A_249 : vector<1x1x16xf32> to vector<16xf32>
        %parallel_loop3A_251 = vector.shape_cast %parallel_loop3A_244 : vector<16xf32> to vector<1x1x16xf32>
        tpu.vector_store %arg6[%parallel_loop3A_246, %parallel_loop3A_247, %parallel_loop3A_248], %parallel_loop3A_251 {strides = array<i32>} : memref<4x128x128xf32, #tpu.memory_space<vmem>>, vector<1x1x16xf32>,
        %parallel_loop3A_252 = arith.constant 3 : i32
        %parallel_loop3A_253 = arith.index_cast %parallel_loop3A_252 : i32 to index
        %parallel_loop3A_254 = arith.index_cast %parallel_loop3A_235 : i32 to index
        %parallel_loop3A_255 = arith.constant 16 : index
        %parallel_loop3A_256 = tpu.vector_load %arg6[%parallel_loop3A_253, %parallel_loop3A_254, %parallel_loop3A_255] {strides = array<i32>} : memref<4x128x128xf32, #tpu.memory_space<vmem>>, vector<1x1x16xf32>,
        %parallel_loop3A_257 = vector.shape_cast %parallel_loop3A_256 : vector<1x1x16xf32> to vector<16xf32>
        %parallel_loop3A_258 = arith.constant 11.3137083 : f32
        %parallel_loop3A_259 = vector.broadcast %parallel_loop3A_258 : f32 to vector<16xf32>
        %parallel_loop3A_260 = arith.mulf %parallel_loop3A_257, %parallel_loop3A_259 : vector<16xf32>
        %parallel_loop3A_261 = arith.constant 3 : i32
        %parallel_loop3A_262 = arith.index_cast %parallel_loop3A_261 : i32 to index
        %parallel_loop3A_263 = arith.index_cast %parallel_loop3A_235 : i32 to index
        %parallel_loop3A_264 = arith.constant 16 : index
        %parallel_loop3A_265 = tpu.vector_load %arg6[%parallel_loop3A_262, %parallel_loop3A_263, %parallel_loop3A_264] {strides = array<i32>} : memref<4x128x128xf32, #tpu.memory_space<vmem>>, vector<1x1x16xf32>,
        %parallel_loop3A_266 = vector.shape_cast %parallel_loop3A_265 : vector<1x1x16xf32> to vector<16xf32>
        %parallel_loop3A_267 = vector.shape_cast %parallel_loop3A_260 : vector<16xf32> to vector<1x1x16xf32>
        tpu.vector_store %arg6[%parallel_loop3A_262, %parallel_loop3A_263, %parallel_loop3A_264], %parallel_loop3A_267 {strides = array<i32>} : memref<4x128x128xf32, #tpu.memory_space<vmem>>, vector<1x1x16xf32>,
        %parallel_loop3A_268 = arith.constant 3 : i32
        %parallel_loop3A_269 = arith.index_cast %parallel_loop3A_268 : i32 to index
        %parallel_loop3A_270 = arith.index_cast %parallel_loop3A_235 : i32 to index
        %parallel_loop3A_271 = arith.constant 32 : index
        %parallel_loop3A_272 = tpu.vector_load %arg6[%parallel_loop3A_269, %parallel_loop3A_270, %parallel_loop3A_271] {strides = array<i32>} : memref<4x128x128xf32, #tpu.memory_space<vmem>>, vector<1x1x16xf32>,
        %parallel_loop3A_273 = vector.shape_cast %parallel_loop3A_272 : vector<1x1x16xf32> to vector<16xf32>
        %parallel_loop3A_274 = arith.constant 11.3137083 : f32
        %parallel_loop3A_275 = vector.broadcast %parallel_loop3A_274 : f32 to vector<16xf32>
        %parallel_loop3A_276 = arith.mulf %parallel_loop3A_273, %parallel_loop3A_275 : vector<16xf32>
        %parallel_loop3A_277 = arith.constant 3 : i32
        %parallel_loop3A_278 = arith.index_cast %parallel_loop3A_277 : i32 to index
        %parallel_loop3A_279 = arith.index_cast %parallel_loop3A_235 : i32 to index
        %parallel_loop3A_280 = arith.constant 32 : index
        %parallel_loop3A_281 = tpu.vector_load %arg6[%parallel_loop3A_278, %parallel_loop3A_279, %parallel_loop3A_280] {strides = array<i32>} : memref<4x128x128xf32, #tpu.memory_space<vmem>>, vector<1x1x16xf32>,
        %parallel_loop3A_282 = vector.shape_cast %parallel_loop3A_281 : vector<1x1x16xf32> to vector<16xf32>
        %parallel_loop3A_283 = vector.shape_cast %parallel_loop3A_276 : vector<16xf32> to vector<1x1x16xf32>
        tpu.vector_store %arg6[%parallel_loop3A_278, %parallel_loop3A_279, %parallel_loop3A_280], %parallel_loop3A_283 {strides = array<i32>} : memref<4x128x128xf32, #tpu.memory_space<vmem>>, vector<1x1x16xf32>,
        %parallel_loop3A_284 = arith.constant 3 : i32
        %parallel_loop3A_285 = arith.index_cast %parallel_loop3A_284 : i32 to index
        %parallel_loop3A_286 = arith.index_cast %parallel_loop3A_235 : i32 to index
        %parallel_loop3A_287 = arith.constant 48 : index
        %parallel_loop3A_288 = tpu.vector_load %arg6[%parallel_loop3A_285, %parallel_loop3A_286, %parallel_loop3A_287] {strides = array<i32>} : memref<4x128x128xf32, #tpu.memory_space<vmem>>, vector<1x1x16xf32>,
        %parallel_loop3A_289 = vector.shape_cast %parallel_loop3A_288 : vector<1x1x16xf32> to vector<16xf32>
        %parallel_loop3A_290 = arith.constant 11.3137083 : f32
        %parallel_loop3A_291 = vector.broadcast %parallel_loop3A_290 : f32 to vector<16xf32>
        %parallel_loop3A_292 = arith.mulf %parallel_loop3A_289, %parallel_loop3A_291 : vector<16xf32>
        %parallel_loop3A_293 = arith.constant 3 : i32
        %parallel_loop3A_294 = arith.index_cast %parallel_loop3A_293 : i32 to index
        %parallel_loop3A_295 = arith.index_cast %parallel_loop3A_235 : i32 to index
        %parallel_loop3A_296 = arith.constant 48 : index
        %parallel_loop3A_297 = tpu.vector_load %arg6[%parallel_loop3A_294, %parallel_loop3A_295, %parallel_loop3A_296] {strides = array<i32>} : memref<4x128x128xf32, #tpu.memory_space<vmem>>, vector<1x1x16xf32>,
        %parallel_loop3A_298 = vector.shape_cast %parallel_loop3A_297 : vector<1x1x16xf32> to vector<16xf32>
        %parallel_loop3A_299 = vector.shape_cast %parallel_loop3A_292 : vector<16xf32> to vector<1x1x16xf32>
        tpu.vector_store %arg6[%parallel_loop3A_294, %parallel_loop3A_295, %parallel_loop3A_296], %parallel_loop3A_299 {strides = array<i32>} : memref<4x128x128xf32, #tpu.memory_space<vmem>>, vector<1x1x16xf32>,
        %parallel_loop3A_300 = arith.constant 3 : i32
        %parallel_loop3A_301 = arith.index_cast %parallel_loop3A_300 : i32 to index
        %parallel_loop3A_302 = arith.index_cast %parallel_loop3A_235 : i32 to index
        %parallel_loop3A_303 = arith.constant 64 : index
        %parallel_loop3A_304 = tpu.vector_load %arg6[%parallel_loop3A_301, %parallel_loop3A_302, %parallel_loop3A_303] {strides = array<i32>} : memref<4x128x128xf32, #tpu.memory_space<vmem>>, vector<1x1x16xf32>,
        %parallel_loop3A_305 = vector.shape_cast %parallel_loop3A_304 : vector<1x1x16xf32> to vector<16xf32>
        %parallel_loop3A_306 = arith.constant 11.3137083 : f32
        %parallel_loop3A_307 = vector.broadcast %parallel_loop3A_306 : f32 to vector<16xf32>
        %parallel_loop3A_308 = arith.mulf %parallel_loop3A_305, %parallel_loop3A_307 : vector<16xf32>
        %parallel_loop3A_309 = arith.constant 3 : i32
        %parallel_loop3A_310 = arith.index_cast %parallel_loop3A_309 : i32 to index
        %parallel_loop3A_311 = arith.index_cast %parallel_loop3A_235 : i32 to index
        %parallel_loop3A_312 = arith.constant 64 : index
        %parallel_loop3A_313 = tpu.vector_load %arg6[%parallel_loop3A_310, %parallel_loop3A_311, %parallel_loop3A_312] {strides = array<i32>} : memref<4x128x128xf32, #tpu.memory_space<vmem>>, vector<1x1x16xf32>,
        %parallel_loop3A_314 = vector.shape_cast %parallel_loop3A_313 : vector<1x1x16xf32> to vector<16xf32>
        %parallel_loop3A_315 = vector.shape_cast %parallel_loop3A_308 : vector<16xf32> to vector<1x1x16xf32>
        tpu.vector_store %arg6[%parallel_loop3A_310, %parallel_loop3A_311, %parallel_loop3A_312], %parallel_loop3A_315 {strides = array<i32>} : memref<4x128x128xf32, #tpu.memory_space<vmem>>, vector<1x1x16xf32>,
        %parallel_loop3A_316 = arith.constant 3 : i32
        %parallel_loop3A_317 = arith.index_cast %parallel_loop3A_316 : i32 to index
        %parallel_loop3A_318 = arith.index_cast %parallel_loop3A_235 : i32 to index
        %parallel_loop3A_319 = arith.constant 80 : index
        %parallel_loop3A_320 = tpu.vector_load %arg6[%parallel_loop3A_317, %parallel_loop3A_318, %parallel_loop3A_319] {strides = array<i32>} : memref<4x128x128xf32, #tpu.memory_space<vmem>>, vector<1x1x16xf32>,
        %parallel_loop3A_321 = vector.shape_cast %parallel_loop3A_320 : vector<1x1x16xf32> to vector<16xf32>
        %parallel_loop3A_322 = arith.constant 11.3137083 : f32
        %parallel_loop3A_323 = vector.broadcast %parallel_loop3A_322 : f32 to vector<16xf32>
        %parallel_loop3A_324 = arith.mulf %parallel_loop3A_321, %parallel_loop3A_323 : vector<16xf32>
        %parallel_loop3A_325 = arith.constant 3 : i32
        %parallel_loop3A_326 = arith.index_cast %parallel_loop3A_325 : i32 to index
        %parallel_loop3A_327 = arith.index_cast %parallel_loop3A_235 : i32 to index
        %parallel_loop3A_328 = arith.constant 80 : index
        %parallel_loop3A_329 = tpu.vector_load %arg6[%parallel_loop3A_326, %parallel_loop3A_327, %parallel_loop3A_328] {strides = array<i32>} : memref<4x128x128xf32, #tpu.memory_space<vmem>>, vector<1x1x16xf32>,
        %parallel_loop3A_330 = vector.shape_cast %parallel_loop3A_329 : vector<1x1x16xf32> to vector<16xf32>
        %parallel_loop3A_331 = vector.shape_cast %parallel_loop3A_324 : vector<16xf32> to vector<1x1x16xf32>
        tpu.vector_store %arg6[%parallel_loop3A_326, %parallel_loop3A_327, %parallel_loop3A_328], %parallel_loop3A_331 {strides = array<i32>} : memref<4x128x128xf32, #tpu.memory_space<vmem>>, vector<1x1x16xf32>,
        %parallel_loop3A_332 = arith.constant 3 : i32
        %parallel_loop3A_333 = arith.index_cast %parallel_loop3A_332 : i32 to index
        %parallel_loop3A_334 = arith.index_cast %parallel_loop3A_235 : i32 to index
        %parallel_loop3A_335 = arith.constant 96 : index
        %parallel_loop3A_336 = tpu.vector_load %arg6[%parallel_loop3A_333, %parallel_loop3A_334, %parallel_loop3A_335] {strides = array<i32>} : memref<4x128x128xf32, #tpu.memory_space<vmem>>, vector<1x1x16xf32>,
        %parallel_loop3A_337 = vector.shape_cast %parallel_loop3A_336 : vector<1x1x16xf32> to vector<16xf32>
        %parallel_loop3A_338 = arith.constant 11.3137083 : f32
        %parallel_loop3A_339 = vector.broadcast %parallel_loop3A_338 : f32 to vector<16xf32>
        %parallel_loop3A_340 = arith.mulf %parallel_loop3A_337, %parallel_loop3A_339 : vector<16xf32>
        %parallel_loop3A_341 = arith.constant 3 : i32
        %parallel_loop3A_342 = arith.index_cast %parallel_loop3A_341 : i32 to index
        %parallel_loop3A_343 = arith.index_cast %parallel_loop3A_235 : i32 to index
        %parallel_loop3A_344 = arith.constant 96 : index
        %parallel_loop3A_345 = tpu.vector_load %arg6[%parallel_loop3A_342, %parallel_loop3A_343, %parallel_loop3A_344] {strides = array<i32>} : memref<4x128x128xf32, #tpu.memory_space<vmem>>, vector<1x1x16xf32>,
        %parallel_loop3A_346 = vector.shape_cast %parallel_loop3A_345 : vector<1x1x16xf32> to vector<16xf32>
        %parallel_loop3A_347 = vector.shape_cast %parallel_loop3A_340 : vector<16xf32> to vector<1x1x16xf32>
        tpu.vector_store %arg6[%parallel_loop3A_342, %parallel_loop3A_343, %parallel_loop3A_344], %parallel_loop3A_347 {strides = array<i32>} : memref<4x128x128xf32, #tpu.memory_space<vmem>>, vector<1x1x16xf32>,
        %parallel_loop3A_348 = arith.constant 3 : i32
        %parallel_loop3A_349 = arith.index_cast %parallel_loop3A_348 : i32 to index
        %parallel_loop3A_350 = arith.index_cast %parallel_loop3A_235 : i32 to index
        %parallel_loop3A_351 = arith.constant 112 : index
        %parallel_loop3A_352 = tpu.vector_load %arg6[%parallel_loop3A_349, %parallel_loop3A_350, %parallel_loop3A_351] {strides = array<i32>} : memref<4x128x128xf32, #tpu.memory_space<vmem>>, vector<1x1x16xf32>,
        %parallel_loop3A_353 = vector.shape_cast %parallel_loop3A_352 : vector<1x1x16xf32> to vector<16xf32>
        %parallel_loop3A_354 = arith.constant 11.3137083 : f32
        %parallel_loop3A_355 = vector.broadcast %parallel_loop3A_354 : f32 to vector<16xf32>
        %parallel_loop3A_356 = arith.mulf %parallel_loop3A_353, %parallel_loop3A_355 : vector<16xf32>
        %parallel_loop3A_357 = arith.constant 3 : i32
        %parallel_loop3A_358 = arith.index_cast %parallel_loop3A_357 : i32 to index
        %parallel_loop3A_359 = arith.index_cast %parallel_loop3A_235 : i32 to index
        %parallel_loop3A_360 = arith.constant 112 : index
        %parallel_loop3A_361 = tpu.vector_load %arg6[%parallel_loop3A_358, %parallel_loop3A_359, %parallel_loop3A_360] {strides = array<i32>} : memref<4x128x128xf32, #tpu.memory_space<vmem>>, vector<1x1x16xf32>,
        %parallel_loop3A_362 = vector.shape_cast %parallel_loop3A_361 : vector<1x1x16xf32> to vector<16xf32>
        %parallel_loop3A_363 = vector.shape_cast %parallel_loop3A_356 : vector<16xf32> to vector<1x1x16xf32>
        tpu.vector_store %arg6[%parallel_loop3A_358, %parallel_loop3A_359, %parallel_loop3A_360], %parallel_loop3A_363 {strides = array<i32>} : memref<4x128x128xf32, #tpu.memory_space<vmem>>, vector<1x1x16xf32>,
      } {sc.loop_unroll_factor = 4 : i64, sc.parallel_access}
      %mul3A_219 = arith.constant 128 : i32
      %mul3A_220 = arith.muli %add3A_191, %mul3A_219 : i32
      %add3A_221 = arith.addi %mul3A_2, %mul3A_220 : i32
      %dma_start3A_222 = arith.constant 3 : i32
      %dma_start3A_223 = arith.constant 0 : i32
      %dma_start3A_224 = arith.constant 0 : i32
      %dma_start3A_225 = tpu.memref_slice %arg6[%dma_start3A_222, %dma_start3A_223, %dma_start3A_224] : memref<4x128x128xf32, #tpu.memory_space<vmem>> -> memref<1x128x128xf32, #tpu.memory_space<vmem>>
      %dma_start3A_226 = tpu.memref_squeeze %dma_start3A_225 : memref<1x128x128xf32, #tpu.memory_space<vmem>> -> memref<128x128xf32, #tpu.memory_space<vmem>>
      %dma_start3A_227 = arith.constant 0 : i32
      %dma_start3A_228 = tpu.memref_slice %arg4[%add3A_221, %dma_start3A_227] : memref<819200x128xf32, #tpu.memory_space<hbm>> -> memref<128x128xf32, #tpu.memory_space<hbm>>
      %dma_start3A_229 = arith.constant 0 : i32
      %dma_start3A_230 = tpu.memref_slice %arg4[%add3A_221, %dma_start3A_229] : memref<819200x128xf32, #tpu.memory_space<hbm>> -> memref<128x128xf32, #tpu.memory_space<hbm>>
      %dma_start3A_231 = arith.constant 0 : i32
      %dma_start3A_232 = arith.constant 0 : i32
      %dma_start3A_233 = tpu.memref_slice %arg6[%dma_start3A_222, %dma_start3A_231, %dma_start3A_232] : memref<4x128x128xf32, #tpu.memory_space<vmem>> -> memref<1x128x128xf32, #tpu.memory_space<vmem>>
      %dma_start3A_234 = tpu.memref_squeeze %dma_start3A_233 : memref<1x128x128xf32, #tpu.memory_space<vmem>> -> memref<128x128xf32, #tpu.memory_space<vmem>>
      tpu.enqueue_dma source(%dma_start3A_234 : memref<128x128xf32, #tpu.memory_space<vmem>>) target(%dma_start3A_230 : memref<128x128xf32, #tpu.memory_space<hbm>>) target_semaphore(%arg14 : memref<!tpu.dma_semaphore, #tpu.memory_space<semaphore_mem>>)
    }
    %scan3A_25 = arith.constant 50 : i32
    %dma_wait3A = arith.constant 2 : i32
    %dma_wait3A_26 = arith.constant 0 : i32
    %dma_wait3A_27 = arith.constant 0 : i32
    %dma_wait3A_28 = tpu.memref_slice %arg6[%dma_wait3A, %dma_wait3A_26, %dma_wait3A_27] : memref<4x128x128xf32, #tpu.memory_space<vmem>> -> memref<1x128x128xf32, #tpu.memory_space<vmem>>
    %dma_wait3A_29 = tpu.memref_squeeze %dma_wait3A_28 : memref<1x128x128xf32, #tpu.memory_space<vmem>> -> memref<128x128xf32, #tpu.memory_space<vmem>>
    %dma_wait3A_30 = arith.constant 0 : i32
    %dma_wait3A_31 = tpu.memref_slice %arg4[%mul3A_2, %dma_wait3A_30] : memref<819200x128xf32, #tpu.memory_space<hbm>> -> memref<128x128xf32, #tpu.memory_space<hbm>>
    %dma_wait3A_32 = arith.constant 0 : i32
    %dma_wait3A_33 = tpu.memref_slice %arg4[%mul3A_2, %dma_wait3A_32] : memref<819200x128xf32, #tpu.memory_space<hbm>> -> memref<128x128xf32, #tpu.memory_space<hbm>>
    %dma_wait3A_34 = arith.constant 0 : i32
    %dma_wait3A_35 = arith.constant 0 : i32
    %dma_wait3A_36 = tpu.memref_slice %arg6[%dma_wait3A, %dma_wait3A_34, %dma_wait3A_35] : memref<4x128x128xf32, #tpu.memory_space<vmem>> -> memref<1x128x128xf32, #tpu.memory_space<vmem>>
    %dma_wait3A_37 = tpu.memref_squeeze %dma_wait3A_36 : memref<1x128x128xf32, #tpu.memory_space<vmem>> -> memref<128x128xf32, #tpu.memory_space<vmem>>
    tpu.wait_dma2 semaphore(%arg13 : memref<!tpu.dma_semaphore, #tpu.memory_space<semaphore_mem>>) src(%dma_wait3A_37 : memref<128x128xf32, #tpu.memory_space<vmem>>) dst(%dma_wait3A_33 : memref<128x128xf32, #tpu.memory_space<hbm>>)
    %dma_wait3A_38 = arith.constant 3 : i32
    %dma_wait3A_39 = arith.constant 0 : i32
    %dma_wait3A_40 = arith.constant 0 : i32
    %dma_wait3A_41 = tpu.memref_slice %arg6[%dma_wait3A_38, %dma_wait3A_39, %dma_wait3A_40] : memref<4x128x128xf32, #tpu.memory_space<vmem>> -> memref<1x128x128xf32, #tpu.memory_space<vmem>>
    %dma_wait3A_42 = tpu.memref_squeeze %dma_wait3A_41 : memref<1x128x128xf32, #tpu.memory_space<vmem>> -> memref<128x128xf32, #tpu.memory_space<vmem>>
    %dma_wait3A_43 = arith.constant 0 : i32
    %dma_wait3A_44 = tpu.memref_slice %arg4[%mul3A_2, %dma_wait3A_43] : memref<819200x128xf32, #tpu.memory_space<hbm>> -> memref<128x128xf32, #tpu.memory_space<hbm>>
    %dma_wait3A_45 = arith.constant 0 : i32
    %dma_wait3A_46 = tpu.memref_slice %arg4[%mul3A_2, %dma_wait3A_45] : memref<819200x128xf32, #tpu.memory_space<hbm>> -> memref<128x128xf32, #tpu.memory_space<hbm>>
    %dma_wait3A_47 = arith.constant 0 : i32
    %dma_wait3A_48 = arith.constant 0 : i32
    %dma_wait3A_49 = tpu.memref_slice %arg6[%dma_wait3A_38, %dma_wait3A_47, %dma_wait3A_48] : memref<4x128x128xf32, #tpu.memory_space<vmem>> -> memref<1x128x128xf32, #tpu.memory_space<vmem>>
    %dma_wait3A_50 = tpu.memref_squeeze %dma_wait3A_49 : memref<1x128x128xf32, #tpu.memory_space<vmem>> -> memref<128x128xf32, #tpu.memory_space<vmem>>
    tpu.wait_dma2 semaphore(%arg14 : memref<!tpu.dma_semaphore, #tpu.memory_space<semaphore_mem>>) src(%dma_wait3A_50 : memref<128x128xf32, #tpu.memory_space<vmem>>) dst(%dma_wait3A_46 : memref<128x128xf32, #tpu.memory_space<hbm>>)
    return
  }
}

</mosaic_0001>

<sc_bundles>
// kernel: kernel.3.cloned.1.call-start
scs
__scs_entry_jumppad:
0x0: {  	(pc) =	sbr.rel $0x88, $3  }
0x1: {  	(tag) =	ssettag $0x0;
	lr =	simm.s32 $0x1  }
0x2: {  	[smem:$0x3F9F] =	sst lr;
	_ =	strace $0xD0000000  }
0x3: {  	_ = 	snop  }
0x4: {  	_ = 	snop  }
0x5: {  	_ = 	snop  }
0x6: {  	_ = 	snop  }
0x7: {  	_ = 	snop  }
__scs_overlays_trampoline_lowered:
0x8: {  	[smem:$0x3FAE] =	sst s0  }
0x9: {  	[smem:$0x3FAF] =	sst s1  }
0xa: {  	[smem:$0x3FB0] =	sst s2  }
0xb: {  	[smem:$0x3FB1] =	sst s3  }
0xc: {  	[smem:$0x3FB2] =	sst s4  }
0xd: {  	[smem:$0x3FB3] =	sst s5  }
0xe: {  	[smem:$0x3FB4] =	sst s6  }
0xf: {  	[smem:$0x3FB5] =	sst s7  }
0x10: {  	[smem:$0x3FB6] =	sst s8  }
0x11: {  	[smem:$0x3FB7] =	sst s9;
	s0 =	simm.s32 @!p0 $0x0  }
0x12: {  	s1 =	sld [smem:$0x3F9D];
	s0 =	simm.s32 @p0 $0x1  }
0x13: {  	[smem:$0x3FB8] =	sst s0;
	s0 =	simm.s32 @!p1 $0x0  }
0x14: {  	s2 =	sld [smem:$0x3F9C];
	s0 =	simm.s32 @p1 $0x1  }
0x15: {  	[smem:$0x3FB9] =	sst s0;
	s0 =	simm.s32 @!p2 $0x0  }
0x16: {  	s3 =	sld [smem:$0x3FDB];
	s0 =	simm.s32 @p2 $0x1  }
0x17: {  	s4 =	simm.s32 $0x1BF5;
	[smem:$0x3FBB] =	sst s0  }
0x18: {  	s0 =	sld [smem:$0x3F9E];
	_ =	swait.ge [sflag:s4], $0x0  }
0x19: {  	s7 =	sld [smem:$0x3F9F]  }
0x1a: {  	s8 =	sadd.s32 $0xFFFFE003, lr  }
0x1b: {  	s9 =	sadd.s32 $0xFFFFFEF7, lr;
	s5 =	simm.s32 $0xFFFFFFFF;
	p2 =	slt.u32 s8, $0xFFFFF086  }
0x1c: {  	p1 =	slt.u32 s9, $0xF7A;
	s5 =	simm.s32 @!p2 $0x0  }
0x1d: {  	s5 =	simm.s32 @p1 $0x1;
	p0 =	seq.s32 s7, s2  }
0x1e: {  	s7 =	smul.u32 @!p0 $0xF7A, s2;
	p2 =	seq.s32 @!p0 s5, $0x0  }
0x1f: {  	s9 =	smul.u32 $0xF7A, s1;
	s8 =	simm.s32 @!p0 $0x1BF5;
	p2 =	por !p2, p0  }
0x20: {  	[sflag:s8] =	ssyncset.s32 @!p0 $0xFFFFF086;
	s6 =	sadd.s32 @!p0 s3, s7;
	s7 =	simm.s32 @!p0 $0x108  }
0x21: {  	s3 =	sadd.s32 s3, s9;
	s6 =	sadd.s32 @!p0 $0x88, s6;
	s7 =	simm.s32 @p2 $0x1082  }
0x22: {  	[simem:s7], [sflag:s8] =	dma.local @!p0 [hbm:s6], $0xF7A  }
0x23: {  	s9 =	sor.u32 $0xD0000000, s2;
	s6 =	simm.s32 $0x108;
	_ =	swait.ge @!p0 [sflag:s8], $0x0  }
0x24: {  	s3 =	sadd.s32 $0x88, s3;
	s6 =	simm.s32 @!p1 $0x1082;
	[sflag:s4] =	ssyncset.s32 $0xFFFFF086  }
0x25: {  	[simem:s6], [sflag:s4] =	dma.local [hbm:s3], $0xF7A  }
0x26: {  	[smem:$0x3F9F] =	sst s1;
	(tag) =	ssettag s2;
	_ =	strace s9  }
0x27: {  	s1 =	sld [smem:$0x3FAF]  }
0x28: {  	s2 =	sld [smem:$0x3FB0]  }
0x29: {  	s4 =	sld [smem:$0x3FB2]  }
0x2a: {  	p0 =	seq.s32 s5, $0x0;
	s5 =	sld [smem:$0x3FB3]  }
0x2b: {  	s6 =	sld [smem:$0x3FB4]  }
0x2c: {  	s7 =	sld [smem:$0x3FB5]  }
0x2d: {  	s3 =	simm.s32 $0x108;
	s8 =	sld [smem:$0x3FB6]  }
0x2e: {  	s3 =	simm.s32 @!p0 $0x1082;
	s9 =	sld [smem:$0x3FB7]  }
0x2f: {  	lr =	sadd.s32 s0, s3;
	s0 =	sld [smem:$0x3FAE]  }
0x30: {  	s3 =	sld [smem:$0x3FB1]  }
0x31: {  	[smem:$0x3FBA] =	sst s10  }
0x32: {  	s10 =	sld [smem:$0x3FB8];
	_ =	sdelay $0x3  }
0x33: {  	p0 =	seq.s32 s10, $0x1;
	s10 =	sld [smem:$0x3FBA];
	_ =	sdelay $0x3  }
0x34: {  	[smem:$0x3FBA] =	sst s10  }
0x35: {  	s10 =	sld [smem:$0x3FB9];
	_ =	sdelay $0x3  }
0x36: {  	p1 =	seq.s32 s10, $0x1;
	s10 =	sld [smem:$0x3FBA];
	_ =	sdelay $0x3  }
0x37: {  	[smem:$0x3FBA] =	sst s10  }
0x38: {  	s10 =	sld [smem:$0x3FBB]  }
0x39: {  	_ = 	snop;
	(pc) =	sbr.ind lr, $3  }
0x3a: {  	_ = 	snop  }
0x3b: {  	_ = 	snop  }
0x3c: {  	p2 =	seq.s32 s10, $0x1;
	s10 =	sld [smem:$0x3FBA]  }
0x3d: {  	_ =	shalt  }
0x3e: {  	_ =	shalt  }
0x3f: {  	_ =	shalt  }
0x40: {  	_ =	shalt  }
0x41: {  	_ =	shalt  }
0x42: {  	_ =	shalt  }
0x43: {  	_ =	shalt  }
0x44: {  	_ =	shalt  }
0x45: {  	_ =	shalt  }
0x46: {  	_ =	shalt  }
0x47: {  	_ =	shalt  }
0x48: {  	_ =	shalt  }
0x49: {  	_ =	shalt  }
0x4a: {  	_ =	shalt  }
0x4b: {  	_ =	shalt  }
0x4c: {  	_ =	shalt  }
0x4d: {  	_ =	shalt  }
0x4e: {  	_ =	shalt  }
0x4f: {  	_ =	shalt  }
0x50: {  	_ =	shalt  }
0x51: {  	_ =	shalt  }
0x52: {  	_ =	shalt  }
0x53: {  	_ =	shalt  }
0x54: {  	_ =	shalt  }
0x55: {  	_ =	shalt  }
0x56: {  	_ =	shalt  }
0x57: {  	_ =	shalt  }
0x58: {  	_ =	shalt  }
0x59: {  	_ =	shalt  }
0x5a: {  	_ =	shalt  }
0x5b: {  	_ =	shalt  }
0x5c: {  	_ =	shalt  }
0x5d: {  	_ =	shalt  }
0x5e: {  	_ =	shalt  }
0x5f: {  	_ =	shalt  }
0x60: {  	_ =	shalt  }
0x61: {  	_ =	shalt  }
0x62: {  	_ =	shalt  }
0x63: {  	_ =	shalt  }
0x64: {  	_ =	shalt  }
0x65: {  	_ =	shalt  }
0x66: {  	_ =	shalt  }
0x67: {  	_ =	shalt  }
0x68: {  	_ =	shalt  }
0x69: {  	_ =	shalt  }
0x6a: {  	_ =	shalt  }
0x6b: {  	_ =	shalt  }
0x6c: {  	_ =	shalt  }
0x6d: {  	_ =	shalt  }
0x6e: {  	_ =	shalt  }
0x6f: {  	_ =	shalt  }
0x70: {  	_ =	shalt  }
0x71: {  	_ =	shalt  }
0x72: {  	_ =	shalt  }
0x73: {  	_ =	shalt  }
0x74: {  	_ =	shalt  }
0x75: {  	_ =	shalt  }
0x76: {  	_ =	shalt  }
0x77: {  	_ =	shalt  }
0x78: {  	_ =	shalt  }
0x79: {  	_ =	shalt  }
0x7a: {  	_ =	shalt  }
0x7b: {  	_ =	shalt  }
0x7c: {  	_ =	shalt  }
0x7d: {  	_ =	shalt  }
0x7e: {  	_ =	shalt  }
0x7f: {  	_ =	shalt  }
0x80: {  	_ =	shalt  }
0x81: {  	_ =	shalt  }
0x82: {  	_ =	shalt  }
0x83: {  	_ =	shalt  }
0x84: {  	_ =	shalt  }
0x85: {  	_ =	shalt  }
0x86: {  	_ =	shalt  }
0x87: {  	_ =	shalt  }
.Lfunc_end0:
.L_simem_size_0:
called_computation_lowered:
.L_overlay_start_0:
0x88: {  	s2 =	sld [smem:$0x3FD9]  }
0x89: {  	s3 =	sld [smem:$0x3FFE];
	_ =	sdelay $0x1  }
0x8a: {  	s1 =	srdreg.scid  }
0x8b: {  	s0 =	sand.u32 $0x1, s1  }
0x8c: {  	s17 =	sshll.u32 s0, $0xA;
	s2 =	sadd.s32 s3, s2  }
0x8d: {  	s2 =	sadd.s32 s2, s17  }
0x8e: {  	[smem:$0x3FC6] =	sst s2  }
0x8f: {  	_ = 	snop  }
0x90: {  	s2 =	sld [smem:$0x3FC8]  }
0x91: {  	s18 =	sld [smem:$0x3FD0];
	(tm) =	ssettm $0x1  }
0x92: {  	s4 =	sld [smem:$0x3FFB];
	_ =	sdelay $0x3  }
0x93: {  	_ =	strace s4  }
0x94: {  	s4 =	sld [smem:$0x3FFC];
	_ =	sdelay $0x3  }
0x95: {  	_ =	strace s4  }
0x96: {  	s4 =	sld [smem:$0x3FFD];
	_ =	sdelay $0x3  }
0x97: {  	_ =	strace s4  }
0x98: {  	_ =	strace $0x8FFFFFFF  }
0x99: {  	s19 =	sld [smem:$0x3FDB];
	_ =	sdelay $0x1  }
0x9a: {  	s5 =	simm.s32 $_scs_section_size  }
0x9b: {  	s6 =	simm.s32 $_size__tile_overlayer_lowered;
	s7 =	simm.s32 $_tile_overlayer_lowered  }
0x9c: {  	s22 =	simm.s32 $0x1BFF;
	s21 =	sshll.u32 s7, $0x1;
	s4 =	sadd.s32 s5, s19  }
0x9d: {  	s8 =	simm.s32 $0x0;
	s20 =	sshll.u32 s6, $0x1;
	s6 =	sadd.s32 s21, s4  }
0x9e: {  	[timem:s8], [sflag:s22] =	dma.local [hbm:s6], s20  }
0x9f: {  	_ =	swait.ge [sflag:s22], s20  }
0xa0: {  	s5 =	ssub.s32 $0x0, s20;
	[sflag:s22] =	ssyncset.done $0x0  }
0xa1: {  	[sflag:s22] =	ssyncadd.s32 s5;
	_ =	sdelay $0x1  }
0xa2: {  	s23 =	simm.s32 $0x1B8B  }
0xa3: {  	_ =	swait.ge [sflag:s23], $0x1  }
0xa4: {  	[sflag:s23] =	ssyncset.done $0x0  }
0xa5: {  	s25 =	simm.s32 $0x1B8E;
	s24 =	sld [smem:$0x3FFE];
	[sflag:s23] =	ssyncadd.s32 $0xFFFFFFFF  }
0xa6: {  	s26 =	simm.s32 $execute0_lowered;
	[smem:$0x3FD2] =	sst s25  }
0xa7: {  	s6 =	sshll.u32 s26, $0x1;
	_ =	strace $0x80000046;
	[dreg:$0x1] =	wrdreg $0xFFFFFFFF  }
0xa8: {  	s28 =	simm.s32 $_size_execute0_lowered;
	s4 =	sadd.s32 s4, s6;
	[dreg:$0x0] =	wrdreg $0x0  }
0xa9: {  	s6 =	sshll.u32 s28, $0x1;
	[dreg:$0x2] =	wrdreg s4  }
0xaa: {  	[dreg:$0x3] =	wrdreg s6  }
0xab: {  	[dreg:$0x4] =	wrdreg $0xC0  }
0xac: {  	_ =	task [dreg:s8], $0x5FFFF  }
0xad: {  	[dreg:$0x1] =	wrdreg $0xFFFFFFFF  }
0xae: {  	[dreg:$0x0] =	wrdreg $0x60  }
0xaf: {  	[dreg:$0x2] =	wrdreg s24  }
0xb0: {  	[dreg:$0x3] =	wrdreg s2  }
0xb1: {  	[dreg:$0x4] =	wrdreg s18  }
0xb2: {  	[dreg:$0x5] =	wrdreg $0x9  }
0xb3: {  	_ =	task.clear_ibuf [dreg:s8], $0x6FFFF;
	_ =	strace $0x90000046  }
0xb4: {  	s29 =	simm.s32 $0x9;
	_ =	strace $0x80000048  }
0xb5: {  	_ =	swait.ge [sflag:s29], $0x1  }
0xb6: {  	[sflag:s29] =	ssyncadd.s32 $0xFFFFFFFF  }
0xb7: {  	_ =	strace $0x90000048  }
0xb8: {  	_ =	sfence  }
0xb9: {  	s30 =	sld [smem:$0x0];
	_ =	sdelay $0x2  }
0xba: {  	s31 =	sshll.u32 s1, $0xD;
	s1 =	sshrl.u32 s1, $0x2  }
0xbb: {  	s3 =	sand.u32 $0x4000, s31;
	s1 =	sadd.s32 s1, s30  }
0xbc: {  	s0 =	sor.u32 s3, s0;
	s1 =	sshll.u32 s1, $0x11  }
0xbd: {  	s0 =	sor.u32 s1, s0  }
0xbe: {  	s0 =	sadd.s32 $0x8F2B, s0  }
0xbf: {  	[sflag:s0] =	ssyncadd.remote.s32 $0x1  }
0xc0: {  	_ =	sfence.sel $0xFFFF  }
0xc1: {  	[dreg:$0x0] =	wrdreg $0xFFFFFFFF;
	(pc) =	sbr.abs _section_cstart, $3  }
0xc2: {  	[dreg:$0x1] =	wrdreg $0xFFFFFFFF  }
0xc3: {  	_ =	task.clear_ibuf [dreg:s8], $0x2FFFF;
	_ =	strace $0x9FFFFFFF  }
0xc4: {  	(tm) =	ssettm $0x7FFFFFFF  }
0xc5: {  	_ =	shalt  }
tec
execute0_lowered:
.L_overlay_start_1:
0x0: {  	(tag) =	ssettag $0x1  }
0x1: {  	s5 =	rddreg [dreg:$0x0]  }
0x2: {  	s1 =	srdreg.scid;
	s2 =	rddreg [dreg:$0x1]  }
0x3: {  	s0 =	stileid.u32;
	s3 =	rddreg [dreg:$0x2]  }
0x4: {  	s4 =	simm.s32 $0x0;
	s10 =	simm.s32 $0x80;
	s11 =	simm.s32 $0x6400  }
0x5: {  	s12 =	simm.s32 $0xA400;
	s13 =	simm.s32 $0x1;
	s14 =	simm.s32 $0xE400  }
0x6: {  	s15 =	simm.s32 $0x2;
	s16 =	simm.s32 $0x12400;
	s17 =	simm.s32 $0x3  }
0x7: {  	s18 =	simm.s32 $0x5;
	s19 =	simm.s32 $0x4;
	s20 =	simm.s32 $0x6  }
0x8: {  	s21 =	simm.s32 $0x7;
	s6 =	sand.u32 $0x1, s1;
	s30 =	sshll.u32 s0, $0x1  }
0x9: {  	s22 =	simm.s32 $0x8;
	s23 =	simm.s32 $0x0;
	s7 =	sor.u32 s6, s30  }
0xa: {  	s1 =	rddreg [dreg:$0x3];
	s6 =	ssub.s32 $0x2, s6;
	s8 =	smul.u32 $0xC80, s7  }
0xb: {  	[smem:$0x7FF] =	sst s4;
	s9 =	smul.u32 $0x64000, s7;
	s31 =	sshrl.u32 s6, $0x1  }
0xc: {  	_ =	strace $0x80000047;
	s5 =	sadd.s32 s8, s5;
	s8 =	ssub.s32 s6, s31  }
0xd: {  	s9 =	sadd.s32 s9, s3;
	s6 =	smul.u32 $0x320000, s7;
	s5 =	sadd.s32 $0x400, s5  }
0xe: {  	s7 =	smax.u32 s8, $0x1;
	s8 =	sadd.s32 $0x800, s9;
	s9 =	simm.s32 $0x9  }
.LBB2_1:
0xf: {  	[tilespmem:s4], [sflag:$0x9] =	stream.linear.gather [hbm4b:s5+s4], $0x6400, $0x38;
	[tilespmem:$0x16400] =	vst v63  }
0x10: {  	_ =	swait.ge [sflag:s9], $0x6400  }
0x11: {  	[sflag:s9] =	ssyncset.done $0x0  }
0x12: {  	[sflag:s9] =	ssyncadd.s32 $0xFFFF9C00  }
0x13: {  	[tilespmem:s11], [sflag:$0x1] =	stream.indirect.gather [hbm4b:s2+s10], $0x80, s4, s10, $0xb8;
	[tilespmem:$0x16400] =	vst v63  }
0x14: {  	s24 =	simm.s32 $0x0  }
0x15: {  	[tilespmem:s12], [sflag:$0x2] =	stream.indirect.gather [hbm4b:s2+s10], $0x80, s10, s10, $0xb8;
	[tilespmem:$0x16400] =	vst v63  }
.LBB2_2:
0x16: {  	_ =	swait.ge [sflag:s13], $0x4000  }
0x17: {  	p0 =	seq.s32 s24, $0x0;
	[sflag:s13] =	ssyncset.done $0x0  }
0x18: {  	s26 =	sshll.u32 s24, $0x2;
	s28 =	simm.s32 @!p0 $0x7;
	[sflag:s13] =	ssyncadd.s32 $0xFFFFC000  }
0x19: {  	s25 =	sor.u32 $0x2, s26;
	_ =	swait.ge @!p0 [sflag:s28], $0x4000  }
0x1a: {  	s29 =	sshll.u32 s25, $0x7;
	[sflag:s28] =	ssyncset.done @!p0 $0x0  }
0x1b: {  	[sflag:s28] =	ssyncadd.s32 @!p0 $0xFFFFC000;
	s28 =	sand.u32 $0x3FFFFF80, s29  }
0x1c: {  	[tilespmem:s14], [sflag:$0x3] =	stream.indirect.gather [hbm4b:s2+s10], $0x80, s28, s10, $0xb8;
	[tilespmem:$0x16400] =	vst v63  }
0x1d: {  	s28 =	simm.s32 $0x6500  }
0x1e: {  	v0 =	vld [tilespmem:s28+$0xF0]  }
0x1f: {  	v1 =	vld [tilespmem:s28+$0xFFFFFF10]  }
0x20: {  	v2 =	vld [tilespmem:s28+$0xFFFFFF20]  }
0x21: {  	v3 =	vld [tilespmem:s28+$0xFFFFFF30]  }
0x22: {  	v6 =	vld [tilespmem:s28+$0xFFFFFF60]  }
0x23: {  	v4 =	vld [tilespmem:s28+$0xFFFFFF40]  }
0x24: {  	v5 =	vld [tilespmem:s28+$0xFFFFFF50];
	v0 =	vmul.f32 $1.131370830e+01, v0  }
0x25: {  	v8 =	vld [tilespmem:s28+$0xFFFFFF80];
	v1 =	vmul.f32 $1.131370830e+01, v1  }
0x26: {  	v7 =	vld [tilespmem:s28+$0xFFFFFF70];
	v2 =	vmul.f32 $1.131370830e+01, v2;
	[tilespmem:s28+$0xF0] =	vst v0  }
0x27: {  	v6 =	vmul.f32 $1.131370830e+01, v6;
	v0 =	vld [tilespmem:s28+$0xFFFFFF90];
	[tilespmem:s28+$0xFFFFFF10] =	vst v1  }
0x28: {  	v1 =	vmul.f32 $1.131370830e+01, v3;
	v3 =	vld [tilespmem:s28+$0xFFFFFFA0];
	[tilespmem:s28+$0xFFFFFF20] =	vst v2;
	v2 =	vmul.f32 $1.131370830e+01, v4  }
0x29: {  	[tilespmem:s28+$0xFFFFFF60] =	vst v6;
	v6 =	vld [tilespmem:s28+$0xFFFFFFF0]  }
0x2a: {  	v4 =	vld [tilespmem:s28+$0xFFFFFFB0];
	[tilespmem:s28+$0xFFFFFF40] =	vst v2;
	v2 =	vmul.f32 $1.131370830e+01, v8  }
0x2b: {  	[tilespmem:s28+$0xFFFFFF30] =	vst v1;
	v1 =	vmul.f32 $1.131370830e+01, v5;
	v5 =	vld [tilespmem:s28+$0xFFFFFFC0]  }
0x2c: {  	v8 =	vld [tilespmem:s28+$0xFFFFFFD0];
	[tilespmem:s28+$0xFFFFFF80] =	vst v2;
	v2 =	vmul.f32 $1.131370830e+01, v7  }
0x2d: {  	[tilespmem:s28+$0xFFFFFF50] =	vst v1;
	v1 =	vld [tilespmem:s28+$0xFFFFFFE0];
	v0 =	vmul.f32 $1.131370830e+01, v0  }
0x2e: {  	v7 =	vld [tilespmem:s28+$0x30];
	v6 =	vmul.f32 $1.131370830e+01, v6;
	[tilespmem:s28+$0xFFFFFF70] =	vst v2  }
0x2f: {  	v2 =	vmul.f32 $1.131370830e+01, v3;
	v3 =	vld [tilespmem:s28+$0x0];
	[tilespmem:s28+$0xFFFFFF90] =	vst v0  }
0x30: {  	v0 =	vmul.f32 $1.131370830e+01, v4;
	v4 =	vld [tilespmem:s28+$0x10];
	[tilespmem:s28+$0xFFFFFFF0] =	vst v6  }
0x31: {  	[tilespmem:s28+$0xFFFFFFA0] =	vst v2;
	v2 =	vmul.f32 $1.131370830e+01, v5;
	v5 =	vld [tilespmem:s28+$0x20]  }
0x32: {  	v6 =	vld [tilespmem:s28+$0x80];
	[tilespmem:s28+$0xFFFFFFB0] =	vst v0;
	v0 =	vmul.f32 $1.131370830e+01, v8  }
0x33: {  	v1 =	vmul.f32 $1.131370830e+01, v1;
	[tilespmem:s28+$0xFFFFFFC0] =	vst v2;
	v2 =	vld [tilespmem:s28+$0x40]  }
0x34: {  	[tilespmem:s28+$0xFFFFFFD0] =	vst v0;
	v0 =	vmul.f32 $1.131370830e+01, v3  }
0x35: {  	v3 =	vld [tilespmem:s28+$0x50];
	[tilespmem:s28+$0xFFFFFFE0] =	vst v1;
	v4 =	vmul.f32 $1.131370830e+01, v4  }
0x36: {  	v1 =	vld [tilespmem:s28+$0x60];
	[tilespmem:s28+$0x0] =	vst v0;
	v0 =	vmul.f32 $1.131370830e+01, v5  }
0x37: {  	v6 =	vmul.f32 $1.131370830e+01, v6;
	v5 =	vld [tilespmem:s28+$0x70];
	[tilespmem:s28+$0x10] =	vst v4  }
0x38: {  	v4 =	vmul.f32 $1.131370830e+01, v7;
	v7 =	vld [tilespmem:s28+$0x90];
	[tilespmem:s28+$0x20] =	vst v0;
	v0 =	vmul.f32 $1.131370830e+01, v2  }
0x39: {  	v8 =	vld [tilespmem:s28+$0xA0];
	[tilespmem:s28+$0x80] =	vst v6  }
0x3a: {  	v2 =	vmul.f32 $1.131370830e+01, v3;
	[tilespmem:s28+$0x40] =	vst v0;
	v0 =	vld [tilespmem:s28+$0xB0]  }
0x3b: {  	[tilespmem:s28+$0x30] =	vst v4;
	v3 =	vmul.f32 $1.131370830e+01, v1;
	v1 =	vld [tilespmem:s28+$0xC0]  }
0x3c: {  	[tilespmem:s28+$0x50] =	vst v2;
	v4 =	vmul.f32 $1.131370830e+01, v5;
	v2 =	vld [tilespmem:s28+$0xD0]  }
0x3d: {  	[tilespmem:s28+$0x60] =	vst v3;
	v3 =	vld [tilespmem:s28+$0xE0];
	v5 =	vmul.f32 $1.131370830e+01, v7  }
0x3e: {  	s30 =	simm.s32 $0x6700;
	s29 =	simm.s32 $0x0;
	v6 =	vmul.f32 $1.131370830e+01, v8;
	[tilespmem:s28+$0x70] =	vst v4;
	v4 =	vld [tilespmem:s28+$0xFFFFFF00]  }
.LBB2_3:
0x3f: {  	v7 =	vld [tilespmem:s30+$0xF0];
	s29 =	sadd.s32 $0x4, s29;
	[tilespmem:s28+$0x90] =	vst v5;
	v0 =	vmul.f32 $1.131370830e+01, v0  }
0x40: {  	v5 =	vld [tilespmem:s30+$0xFFFFFF10];
	p1 =	slt.u32 s29, $0x7C;
	[tilespmem:s28+$0xA0] =	vst v6;
	v1 =	vmul.f32 $1.131370830e+01, v1  }
0x41: {  	v6 =	vld [tilespmem:s30+$0xFFFFFF20];
	[tilespmem:s28+$0xB0] =	vst v0;
	v0 =	vmul.f32 $1.131370830e+01, v2  }
0x42: {  	v2 =	vld [tilespmem:s30+$0xFFFFFF30];
	[tilespmem:s28+$0xC0] =	vst v1;
	v1 =	vmul.f32 $1.131370830e+01, v3  }
0x43: {  	v3 =	vld [tilespmem:s30+$0xFFFFFF40];
	v4 =	vmul.f32 $1.131370830e+01, v4;
	[tilespmem:s28+$0xD0] =	vst v0  }
0x44: {  	v0 =	vld [tilespmem:s30+$0xFFFFFF50];
	v7 =	vmul.f32 $1.131370830e+01, v7;
	[tilespmem:s28+$0xE0] =	vst v1  }
0x45: {  	v1 =	vmul.f32 $1.131370830e+01, v5;
	v5 =	vld [tilespmem:s30+$0xFFFFFF60];
	[tilespmem:s28+$0xFFFFFF00] =	vst v4;
	s28 =	smov.u32 s30  }
0x46: {  	v4 =	vmul.f32 $1.131370830e+01, v6;
	v6 =	vld [tilespmem:s30+$0xFFFFFF70];
	[tilespmem:s30+$0xF0] =	vst v7  }
0x47: {  	[tilespmem:s30+$0xFFFFFF10] =	vst v1;
	v1 =	vmul.f32 $1.131370830e+01, v2;
	v2 =	vld [tilespmem:s30+$0xFFFFFF80]  }
0x48: {  	[tilespmem:s30+$0xFFFFFF20] =	vst v4;
	v3 =	vmul.f32 $1.131370830e+01, v3;
	v4 =	vld [tilespmem:s30+$0xFFFFFF90]  }
0x49: {  	[tilespmem:s30+$0xFFFFFF30] =	vst v1;
	v0 =	vmul.f32 $1.131370830e+01, v0;
	v1 =	vld [tilespmem:s30+$0xFFFFFFA0]  }
0x4a: {  	[tilespmem:s30+$0xFFFFFF40] =	vst v3;
	v3 =	vmul.f32 $1.131370830e+01, v5;
	v5 =	vld [tilespmem:s30+$0xFFFFFFB0]  }
0x4b: {  	[tilespmem:s30+$0xFFFFFF50] =	vst v0;
	v0 =	vmul.f32 $1.131370830e+01, v6;
	v6 =	vld [tilespmem:s30+$0xFFFFFFC0]  }
0x4c: {  	[tilespmem:s30+$0xFFFFFF60] =	vst v3;
	v2 =	vmul.f32 $1.131370830e+01, v2;
	v3 =	vld [tilespmem:s30+$0xFFFFFFD0]  }
0x4d: {  	[tilespmem:s30+$0xFFFFFF70] =	vst v0;
	v0 =	vmul.f32 $1.131370830e+01, v4;
	v4 =	vld [tilespmem:s30+$0xFFFFFFE0]  }
0x4e: {  	[tilespmem:s30+$0xFFFFFF80] =	vst v2;
	v1 =	vmul.f32 $1.131370830e+01, v1;
	v2 =	vld [tilespmem:s30+$0xFFFFFFF0]  }
0x4f: {  	[tilespmem:s30+$0xFFFFFF90] =	vst v0;
	v0 =	vmul.f32 $1.131370830e+01, v5;
	v5 =	vld [tilespmem:s30+$0x0]  }
0x50: {  	[tilespmem:s30+$0xFFFFFFA0] =	vst v1;
	v1 =	vmul.f32 $1.131370830e+01, v6;
	v6 =	vld [tilespmem:s30+$0x10]  }
0x51: {  	[tilespmem:s30+$0xFFFFFFB0] =	vst v0;
	v0 =	vmul.f32 $1.131370830e+01, v3;
	v3 =	vld [tilespmem:s30+$0x20]  }
0x52: {  	[tilespmem:s30+$0xFFFFFFC0] =	vst v1;
	v1 =	vmul.f32 $1.131370830e+01, v4;
	v4 =	vld [tilespmem:s30+$0x30]  }
0x53: {  	[tilespmem:s30+$0xFFFFFFD0] =	vst v0;
	v0 =	vmul.f32 $1.131370830e+01, v2;
	v2 =	vld [tilespmem:s30+$0x40]  }
0x54: {  	[tilespmem:s30+$0xFFFFFFE0] =	vst v1;
	v1 =	vmul.f32 $1.131370830e+01, v5;
	v5 =	vld [tilespmem:s30+$0x50]  }
0x55: {  	[tilespmem:s30+$0xFFFFFFF0] =	vst v0;
	v0 =	vmul.f32 $1.131370830e+01, v6;
	v6 =	vld [tilespmem:s30+$0x60]  }
0x56: {  	[tilespmem:s30+$0x0] =	vst v1;
	v1 =	vmul.f32 $1.131370830e+01, v3;
	v3 =	vld [tilespmem:s30+$0x70]  }
0x57: {  	[tilespmem:s30+$0x10] =	vst v0;
	v0 =	vmul.f32 $1.131370830e+01, v4;
	v4 =	vld [tilespmem:s30+$0x80]  }
0x58: {  	[tilespmem:s30+$0x20] =	vst v1;
	v1 =	vmul.f32 $1.131370830e+01, v2;
	v7 =	vld [tilespmem:s30+$0x90]  }
0x59: {  	[tilespmem:s30+$0x30] =	vst v0;
	v2 =	vmul.f32 $1.131370830e+01, v5;
	v8 =	vld [tilespmem:s30+$0xA0]  }
.Ltmp0:
0x5a: {  	[tilespmem:s30+$0x40] =	vst v1;
	v5 =	vmul.f32 $1.131370830e+01, v6;
	v0 =	vld [tilespmem:s30+$0xB0];
	(pc) =	sbr.rel @p1 .LBB2_3-.Ltmp0, $4  }
0x5b: {  	[tilespmem:s30+$0x50] =	vst v2;
	v3 =	vmul.f32 $1.131370830e+01, v3;
	v1 =	vld [tilespmem:s30+$0xC0]  }
0x5c: {  	[tilespmem:s30+$0x60] =	vst v5;
	v6 =	vmul.f32 $1.131370830e+01, v4;
	v2 =	vld [tilespmem:s30+$0xD0]  }
0x5d: {  	[tilespmem:s30+$0x70] =	vst v3;
	v5 =	vmul.f32 $1.131370830e+01, v7;
	v3 =	vld [tilespmem:s30+$0xE0]  }
0x5e: {  	s30 =	sadd.s32 $0x200, s30;
	v4 =	vld [tilespmem:s28+$0xFFFFFF00];
	[tilespmem:s28+$0x80] =	vst v6;
	v6 =	vmul.f32 $1.131370830e+01, v8  }
0x5f: {  	[tilespmem:s28+$0x90] =	vst v5;
	v0 =	vmul.f32 $1.131370830e+01, v0  }
0x60: {  	[tilespmem:s28+$0xA0] =	vst v6;
	v1 =	vmul.f32 $1.131370830e+01, v1  }
0x61: {  	[tilespmem:s28+$0xB0] =	vst v0;
	v0 =	vmul.f32 $1.131370830e+01, v2  }
0x62: {  	s29 =	sshll.u32 s24, $0x10;
	[tilespmem:s28+$0xC0] =	vst v1;
	v1 =	vmul.f32 $1.131370830e+01, v3  }
0x63: {  	s29 =	sadd.s32 s6, s29;
	v2 =	vmul.f32 $1.131370830e+01, v4;
	[tilespmem:s28+$0xD0] =	vst v0  }
0x64: {  	s29 =	sshrl.u32 s29, $0x3;
	[tilespmem:s28+$0xE0] =	vst v1  }
0x65: {  	[tilespmem:s28+$0xFFFFFF00] =	vst v2;
	s28 =	sadd.s32 s3, s29  }
0x66: {  	[hbm4b:s28+s4] =	stream.linear.scatter [tilespmem:s11], [sflag:$0x5], $0x4000, $0x38;
	[tilespmem:$0x16400] =	vst v63  }
0x67: {  	_ =	swait.ge [sflag:s15], $0x4000  }
0x68: {  	[sflag:s15] =	ssyncset.done $0x0  }
0x69: {  	s28 =	simm.s32 @!p0 $0x8;
	[sflag:s15] =	ssyncadd.s32 $0xFFFFC000  }
0x6a: {  	s26 =	sor.u32 $0x3, s26;
	_ =	swait.ge @!p0 [sflag:s28], $0x4000  }
0x6b: {  	s29 =	sshll.u32 s26, $0x7;
	[sflag:s28] =	ssyncset.done @!p0 $0x0  }
0x6c: {  	[sflag:s28] =	ssyncadd.s32 @!p0 $0xFFFFC000;
	s28 =	sand.u32 $0x3FFFFF80, s29  }
0x6d: {  	[tilespmem:s16], [sflag:$0x4] =	stream.indirect.gather [hbm4b:s2+s10], $0x80, s28, s10, $0xb8;
	[tilespmem:$0x16400] =	vst v63  }
0x6e: {  	s28 =	simm.s32 $0xA400  }
0x6f: {  	v0 =	vld [tilespmem:s28+$0x1F0]  }
0x70: {  	v1 =	vld [tilespmem:s28+$0x10]  }
0x71: {  	v2 =	vld [tilespmem:s28+$0x20]  }
0x72: {  	v3 =	vld [tilespmem:s28+$0x30]  }
0x73: {  	v6 =	vld [tilespmem:s28+$0x60]  }
0x74: {  	v4 =	vld [tilespmem:s28+$0x40]  }
0x75: {  	v5 =	vld [tilespmem:s28+$0x50];
	v0 =	vmul.f32 $1.131370830e+01, v0  }
0x76: {  	v8 =	vld [tilespmem:s28+$0x80];
	v1 =	vmul.f32 $1.131370830e+01, v1  }
0x77: {  	v7 =	vld [tilespmem:s28+$0x70];
	v2 =	vmul.f32 $1.131370830e+01, v2;
	[tilespmem:s28+$0x1F0] =	vst v0  }
0x78: {  	v6 =	vmul.f32 $1.131370830e+01, v6;
	v0 =	vld [tilespmem:s28+$0x90];
	[tilespmem:s28+$0x10] =	vst v1  }
0x79: {  	v1 =	vmul.f32 $1.131370830e+01, v3;
	v3 =	vld [tilespmem:s28+$0xA0];
	[tilespmem:s28+$0x20] =	vst v2;
	v2 =	vmul.f32 $1.131370830e+01, v4  }
0x7a: {  	[tilespmem:s28+$0x60] =	vst v6;
	v6 =	vld [tilespmem:s28+$0xF0]  }
0x7b: {  	v4 =	vld [tilespmem:s28+$0xB0];
	[tilespmem:s28+$0x40] =	vst v2;
	v2 =	vmul.f32 $1.131370830e+01, v8  }
0x7c: {  	[tilespmem:s28+$0x30] =	vst v1;
	v1 =	vmul.f32 $1.131370830e+01, v5;
	v5 =	vld [tilespmem:s28+$0xC0]  }
0x7d: {  	v8 =	vld [tilespmem:s28+$0xD0];
	[tilespmem:s28+$0x80] =	vst v2;
	v2 =	vmul.f32 $1.131370830e+01, v7  }
0x7e: {  	[tilespmem:s28+$0x50] =	vst v1;
	v1 =	vld [tilespmem:s28+$0xE0];
	v0 =	vmul.f32 $1.131370830e+01, v0  }
0x7f: {  	v7 =	vld [tilespmem:s28+$0x130];
	v6 =	vmul.f32 $1.131370830e+01, v6;
	[tilespmem:s28+$0x70] =	vst v2  }
0x80: {  	v2 =	vmul.f32 $1.131370830e+01, v3;
	v3 =	vld [tilespmem:s28+$0x100];
	[tilespmem:s28+$0x90] =	vst v0  }
0x81: {  	v0 =	vmul.f32 $1.131370830e+01, v4;
	v4 =	vld [tilespmem:s28+$0x110];
	[tilespmem:s28+$0xF0] =	vst v6  }
0x82: {  	[tilespmem:s28+$0xA0] =	vst v2;
	v2 =	vmul.f32 $1.131370830e+01, v5;
	v5 =	vld [tilespmem:s28+$0x120]  }
0x83: {  	v6 =	vld [tilespmem:s28+$0x180];
	[tilespmem:s28+$0xB0] =	vst v0;
	v0 =	vmul.f32 $1.131370830e+01, v8  }
0x84: {  	v1 =	vmul.f32 $1.131370830e+01, v1;
	[tilespmem:s28+$0xC0] =	vst v2;
	v2 =	vld [tilespmem:s28+$0x140]  }
0x85: {  	[tilespmem:s28+$0xD0] =	vst v0;
	v0 =	vmul.f32 $1.131370830e+01, v3  }
0x86: {  	v3 =	vld [tilespmem:s28+$0x150];
	[tilespmem:s28+$0xE0] =	vst v1;
	v4 =	vmul.f32 $1.131370830e+01, v4  }
0x87: {  	v1 =	vld [tilespmem:s28+$0x160];
	[tilespmem:s28+$0x100] =	vst v0;
	v0 =	vmul.f32 $1.131370830e+01, v5  }
0x88: {  	v6 =	vmul.f32 $1.131370830e+01, v6;
	v5 =	vld [tilespmem:s28+$0x170];
	[tilespmem:s28+$0x110] =	vst v4  }
0x89: {  	v4 =	vmul.f32 $1.131370830e+01, v7;
	v7 =	vld [tilespmem:s28+$0x190];
	[tilespmem:s28+$0x120] =	vst v0;
	v0 =	vmul.f32 $1.131370830e+01, v2  }
0x8a: {  	v8 =	vld [tilespmem:s28+$0x1A0];
	[tilespmem:s28+$0x180] =	vst v6  }
0x8b: {  	v2 =	vmul.f32 $1.131370830e+01, v3;
	[tilespmem:s28+$0x140] =	vst v0;
	v0 =	vld [tilespmem:s28+$0x1B0]  }
0x8c: {  	[tilespmem:s28+$0x130] =	vst v4;
	v3 =	vmul.f32 $1.131370830e+01, v1;
	v1 =	vld [tilespmem:s28+$0x1C0]  }
0x8d: {  	[tilespmem:s28+$0x150] =	vst v2;
	v4 =	vmul.f32 $1.131370830e+01, v5;
	v2 =	vld [tilespmem:s28+$0x1D0]  }
0x8e: {  	[tilespmem:s28+$0x160] =	vst v3;
	v3 =	vld [tilespmem:s28+$0x1E0];
	v5 =	vmul.f32 $1.131370830e+01, v7  }
0x8f: {  	s30 =	simm.s32 $0xA600;
	s29 =	simm.s32 $0x0;
	v6 =	vmul.f32 $1.131370830e+01, v8;
	[tilespmem:s28+$0x170] =	vst v4;
	v4 =	vld [tilespmem:s28+$0x0]  }
.LBB2_5:
0x90: {  	v7 =	vld [tilespmem:s30+$0x1F0];
	s29 =	sadd.s32 $0x4, s29;
	[tilespmem:s28+$0x190] =	vst v5;
	v0 =	vmul.f32 $1.131370830e+01, v0  }
0x91: {  	v5 =	vld [tilespmem:s30+$0x10];
	p0 =	slt.u32 s29, $0x7C;
	[tilespmem:s28+$0x1A0] =	vst v6;
	v1 =	vmul.f32 $1.131370830e+01, v1  }
0x92: {  	v6 =	vld [tilespmem:s30+$0x20];
	[tilespmem:s28+$0x1B0] =	vst v0;
	v0 =	vmul.f32 $1.131370830e+01, v2  }
0x93: {  	v2 =	vld [tilespmem:s30+$0x30];
	[tilespmem:s28+$0x1C0] =	vst v1;
	v1 =	vmul.f32 $1.131370830e+01, v3  }
0x94: {  	v3 =	vld [tilespmem:s30+$0x40];
	v4 =	vmul.f32 $1.131370830e+01, v4;
	[tilespmem:s28+$0x1D0] =	vst v0  }
0x95: {  	v0 =	vld [tilespmem:s30+$0x50];
	v7 =	vmul.f32 $1.131370830e+01, v7;
	[tilespmem:s28+$0x1E0] =	vst v1  }
0x96: {  	v1 =	vmul.f32 $1.131370830e+01, v5;
	v5 =	vld [tilespmem:s30+$0x60];
	[tilespmem:s28+$0x0] =	vst v4;
	s28 =	smov.u32 s30  }
0x97: {  	v4 =	vmul.f32 $1.131370830e+01, v6;
	v6 =	vld [tilespmem:s30+$0x70];
	[tilespmem:s30+$0x1F0] =	vst v7  }
0x98: {  	[tilespmem:s30+$0x10] =	vst v1;
	v1 =	vmul.f32 $1.131370830e+01, v2;
	v2 =	vld [tilespmem:s30+$0x80]  }
0x99: {  	[tilespmem:s30+$0x20] =	vst v4;
	v3 =	vmul.f32 $1.131370830e+01, v3;
	v4 =	vld [tilespmem:s30+$0x90]  }
0x9a: {  	[tilespmem:s30+$0x30] =	vst v1;
	v0 =	vmul.f32 $1.131370830e+01, v0;
	v1 =	vld [tilespmem:s30+$0xA0]  }
0x9b: {  	[tilespmem:s30+$0x40] =	vst v3;
	v3 =	vmul.f32 $1.131370830e+01, v5;
	v5 =	vld [tilespmem:s30+$0xB0]  }
0x9c: {  	[tilespmem:s30+$0x50] =	vst v0;
	v0 =	vmul.f32 $1.131370830e+01, v6;
	v6 =	vld [tilespmem:s30+$0xC0]  }
0x9d: {  	[tilespmem:s30+$0x60] =	vst v3;
	v2 =	vmul.f32 $1.131370830e+01, v2;
	v3 =	vld [tilespmem:s30+$0xD0]  }
0x9e: {  	[tilespmem:s30+$0x70] =	vst v0;
	v0 =	vmul.f32 $1.131370830e+01, v4;
	v4 =	vld [tilespmem:s30+$0xE0]  }
0x9f: {  	[tilespmem:s30+$0x80] =	vst v2;
	v1 =	vmul.f32 $1.131370830e+01, v1;
	v2 =	vld [tilespmem:s30+$0xF0]  }
0xa0: {  	[tilespmem:s30+$0x90] =	vst v0;
	v0 =	vmul.f32 $1.131370830e+01, v5;
	v5 =	vld [tilespmem:s30+$0x100]  }
0xa1: {  	[tilespmem:s30+$0xA0] =	vst v1;
	v1 =	vmul.f32 $1.131370830e+01, v6;
	v6 =	vld [tilespmem:s30+$0x110]  }
0xa2: {  	[tilespmem:s30+$0xB0] =	vst v0;
	v0 =	vmul.f32 $1.131370830e+01, v3;
	v3 =	vld [tilespmem:s30+$0x120]  }
0xa3: {  	[tilespmem:s30+$0xC0] =	vst v1;
	v1 =	vmul.f32 $1.131370830e+01, v4;
	v4 =	vld [tilespmem:s30+$0x130]  }
0xa4: {  	[tilespmem:s30+$0xD0] =	vst v0;
	v0 =	vmul.f32 $1.131370830e+01, v2;
	v2 =	vld [tilespmem:s30+$0x140]  }
0xa5: {  	[tilespmem:s30+$0xE0] =	vst v1;
	v1 =	vmul.f32 $1.131370830e+01, v5;
	v5 =	vld [tilespmem:s30+$0x150]  }
0xa6: {  	[tilespmem:s30+$0xF0] =	vst v0;
	v0 =	vmul.f32 $1.131370830e+01, v6;
	v6 =	vld [tilespmem:s30+$0x160]  }
0xa7: {  	[tilespmem:s30+$0x100] =	vst v1;
	v1 =	vmul.f32 $1.131370830e+01, v3;
	v3 =	vld [tilespmem:s30+$0x170]  }
0xa8: {  	[tilespmem:s30+$0x110] =	vst v0;
	v0 =	vmul.f32 $1.131370830e+01, v4;
	v4 =	vld [tilespmem:s30+$0x180]  }
0xa9: {  	[tilespmem:s30+$0x120] =	vst v1;
	v1 =	vmul.f32 $1.131370830e+01, v2;
	v7 =	vld [tilespmem:s30+$0x190]  }
0xaa: {  	[tilespmem:s30+$0x130] =	vst v0;
	v2 =	vmul.f32 $1.131370830e+01, v5;
	v8 =	vld [tilespmem:s30+$0x1A0]  }
.Ltmp1:
0xab: {  	[tilespmem:s30+$0x140] =	vst v1;
	v5 =	vmul.f32 $1.131370830e+01, v6;
	v0 =	vld [tilespmem:s30+$0x1B0];
	(pc) =	sbr.rel @p0 .LBB2_5-.Ltmp1, $4  }
0xac: {  	[tilespmem:s30+$0x150] =	vst v2;
	v3 =	vmul.f32 $1.131370830e+01, v3;
	v1 =	vld [tilespmem:s30+$0x1C0]  }
0xad: {  	[tilespmem:s30+$0x160] =	vst v5;
	v6 =	vmul.f32 $1.131370830e+01, v4;
	v2 =	vld [tilespmem:s30+$0x1D0]  }
0xae: {  	[tilespmem:s30+$0x170] =	vst v3;
	v5 =	vmul.f32 $1.131370830e+01, v7;
	v3 =	vld [tilespmem:s30+$0x1E0]  }
0xaf: {  	s30 =	sadd.s32 $0x200, s30;
	v4 =	vld [tilespmem:s28+$0x0];
	[tilespmem:s28+$0x180] =	vst v6;
	v6 =	vmul.f32 $1.131370830e+01, v8  }
0xb0: {  	[tilespmem:s28+$0x190] =	vst v5;
	v0 =	vmul.f32 $1.131370830e+01, v0  }
0xb1: {  	[tilespmem:s28+$0x1A0] =	vst v6;
	v1 =	vmul.f32 $1.131370830e+01, v1  }
0xb2: {  	[tilespmem:s28+$0x1B0] =	vst v0;
	v0 =	vmul.f32 $1.131370830e+01, v2  }
0xb3: {  	[tilespmem:s28+$0x1C0] =	vst v1;
	v1 =	vmul.f32 $1.131370830e+01, v3  }
0xb4: {  	v2 =	vmul.f32 $1.131370830e+01, v4;
	[tilespmem:s28+$0x1D0] =	vst v0  }
0xb5: {  	s29 =	sshll.u32 s24, $0xD;
	[tilespmem:s28+$0x1E0] =	vst v1  }
0xb6: {  	[tilespmem:s28+$0x0] =	vst v2;
	s28 =	sadd.s32 s8, s29  }
0xb7: {  	[hbm4b:s28+s4] =	stream.linear.scatter [tilespmem:s12], [sflag:$0x6], $0x4000, $0x38;
	[tilespmem:$0x16400] =	vst v63  }
0xb8: {  	_ =	swait.ge [sflag:s17], $0x4000  }
0xb9: {  	[sflag:s17] =	ssyncset.done $0x0  }
0xba: {  	p0 =	seq.s32 s24, $0x31;
	[sflag:s17] =	ssyncadd.s32 $0xFFFFC000  }
0xbb: {  	s28 =	sshll.u32 @!p0 s24, $0x9;
	_ =	swait.ge [sflag:s18], $0x4000  }
0xbc: {  	s30 =	simm.s32 @!p0 $0x80;
	s28 =	sand.u32 @!p0 $0x3FFFFE00, s28;
	[sflag:s18] =	ssyncset.done $0x0  }
0xbd: {  	s31 =	simm.s32 @!p0 $0x6400;
	s29 =	sadd.s32 @!p0 $0x200, s28;
	[sflag:s18] =	ssyncadd.s32 $0xFFFFC000  }
0xbe: {  	[tilespmem:s31], [sflag:$0x1] =	stream.indirect.gather @!p0 [hbm4b:s2+s30], $0x80, s29, s30, $0xb8;
	[tilespmem:$0x16400] =	vst v63  }
0xbf: {  	s29 =	simm.s32 $0xE400  }
0xc0: {  	v0 =	vld [tilespmem:s29+$0x1F0]  }
0xc1: {  	v1 =	vld [tilespmem:s29+$0x10]  }
0xc2: {  	v2 =	vld [tilespmem:s29+$0x20]  }
0xc3: {  	v3 =	vld [tilespmem:s29+$0x30]  }
0xc4: {  	v6 =	vld [tilespmem:s29+$0x60]  }
0xc5: {  	v4 =	vld [tilespmem:s29+$0x40]  }
0xc6: {  	v5 =	vld [tilespmem:s29+$0x50];
	v0 =	vmul.f32 $1.131370830e+01, v0  }
0xc7: {  	v8 =	vld [tilespmem:s29+$0x80];
	v1 =	vmul.f32 $1.131370830e+01, v1  }
0xc8: {  	v7 =	vld [tilespmem:s29+$0x70];
	v2 =	vmul.f32 $1.131370830e+01, v2;
	[tilespmem:s29+$0x1F0] =	vst v0  }
0xc9: {  	v6 =	vmul.f32 $1.131370830e+01, v6;
	v0 =	vld [tilespmem:s29+$0x90];
	[tilespmem:s29+$0x10] =	vst v1  }
0xca: {  	v1 =	vmul.f32 $1.131370830e+01, v3;
	v3 =	vld [tilespmem:s29+$0xA0];
	[tilespmem:s29+$0x20] =	vst v2;
	v2 =	vmul.f32 $1.131370830e+01, v4  }
0xcb: {  	[tilespmem:s29+$0x60] =	vst v6;
	v6 =	vld [tilespmem:s29+$0xF0]  }
0xcc: {  	v4 =	vld [tilespmem:s29+$0xB0];
	[tilespmem:s29+$0x40] =	vst v2;
	v2 =	vmul.f32 $1.131370830e+01, v8  }
0xcd: {  	[tilespmem:s29+$0x30] =	vst v1;
	v1 =	vmul.f32 $1.131370830e+01, v5;
	v5 =	vld [tilespmem:s29+$0xC0]  }
0xce: {  	v8 =	vld [tilespmem:s29+$0xD0];
	[tilespmem:s29+$0x80] =	vst v2;
	v2 =	vmul.f32 $1.131370830e+01, v7  }
0xcf: {  	[tilespmem:s29+$0x50] =	vst v1;
	v1 =	vld [tilespmem:s29+$0xE0];
	v0 =	vmul.f32 $1.131370830e+01, v0  }
0xd0: {  	v7 =	vld [tilespmem:s29+$0x130];
	v6 =	vmul.f32 $1.131370830e+01, v6;
	[tilespmem:s29+$0x70] =	vst v2  }
0xd1: {  	v2 =	vmul.f32 $1.131370830e+01, v3;
	v3 =	vld [tilespmem:s29+$0x100];
	[tilespmem:s29+$0x90] =	vst v0  }
0xd2: {  	v0 =	vmul.f32 $1.131370830e+01, v4;
	v4 =	vld [tilespmem:s29+$0x110];
	[tilespmem:s29+$0xF0] =	vst v6  }
0xd3: {  	[tilespmem:s29+$0xA0] =	vst v2;
	v2 =	vmul.f32 $1.131370830e+01, v5;
	v5 =	vld [tilespmem:s29+$0x120]  }
0xd4: {  	v6 =	vld [tilespmem:s29+$0x180];
	[tilespmem:s29+$0xB0] =	vst v0;
	v0 =	vmul.f32 $1.131370830e+01, v8  }
0xd5: {  	v1 =	vmul.f32 $1.131370830e+01, v1;
	[tilespmem:s29+$0xC0] =	vst v2;
	v2 =	vld [tilespmem:s29+$0x140]  }
0xd6: {  	[tilespmem:s29+$0xD0] =	vst v0;
	v0 =	vmul.f32 $1.131370830e+01, v3  }
0xd7: {  	v3 =	vld [tilespmem:s29+$0x150];
	[tilespmem:s29+$0xE0] =	vst v1;
	v4 =	vmul.f32 $1.131370830e+01, v4  }
0xd8: {  	v1 =	vld [tilespmem:s29+$0x160];
	[tilespmem:s29+$0x100] =	vst v0;
	v0 =	vmul.f32 $1.131370830e+01, v5  }
0xd9: {  	v6 =	vmul.f32 $1.131370830e+01, v6;
	v5 =	vld [tilespmem:s29+$0x170];
	[tilespmem:s29+$0x110] =	vst v4  }
0xda: {  	v4 =	vmul.f32 $1.131370830e+01, v7;
	v7 =	vld [tilespmem:s29+$0x190];
	[tilespmem:s29+$0x120] =	vst v0;
	v0 =	vmul.f32 $1.131370830e+01, v2  }
0xdb: {  	v8 =	vld [tilespmem:s29+$0x1A0];
	[tilespmem:s29+$0x180] =	vst v6  }
0xdc: {  	v2 =	vmul.f32 $1.131370830e+01, v3;
	[tilespmem:s29+$0x140] =	vst v0;
	v0 =	vld [tilespmem:s29+$0x1B0]  }
0xdd: {  	[tilespmem:s29+$0x130] =	vst v4;
	v3 =	vmul.f32 $1.131370830e+01, v1;
	v1 =	vld [tilespmem:s29+$0x1C0]  }
0xde: {  	[tilespmem:s29+$0x150] =	vst v2;
	v4 =	vmul.f32 $1.131370830e+01, v5;
	v2 =	vld [tilespmem:s29+$0x1D0]  }
0xdf: {  	[tilespmem:s29+$0x160] =	vst v3;
	v3 =	vld [tilespmem:s29+$0x1E0];
	v5 =	vmul.f32 $1.131370830e+01, v7  }
0xe0: {  	s30 =	simm.s32 $0x0;
	s31 =	simm.s32 $0xE600;
	v6 =	vmul.f32 $1.131370830e+01, v8;
	[tilespmem:s29+$0x170] =	vst v4;
	v4 =	vld [tilespmem:s29+$0x0]  }
.LBB2_7:
0xe1: {  	v7 =	vld [tilespmem:s31+$0x1F0];
	s30 =	sadd.s32 $0x4, s30;
	[tilespmem:s29+$0x190] =	vst v5;
	v0 =	vmul.f32 $1.131370830e+01, v0  }
0xe2: {  	v5 =	vld [tilespmem:s31+$0x10];
	p1 =	slt.u32 s30, $0x7C;
	[tilespmem:s29+$0x1A0] =	vst v6;
	v1 =	vmul.f32 $1.131370830e+01, v1  }
0xe3: {  	v6 =	vld [tilespmem:s31+$0x20];
	[tilespmem:s29+$0x1B0] =	vst v0;
	v0 =	vmul.f32 $1.131370830e+01, v2  }
0xe4: {  	v2 =	vld [tilespmem:s31+$0x30];
	[tilespmem:s29+$0x1C0] =	vst v1;
	v1 =	vmul.f32 $1.131370830e+01, v3  }
0xe5: {  	v3 =	vld [tilespmem:s31+$0x40];
	v4 =	vmul.f32 $1.131370830e+01, v4;
	[tilespmem:s29+$0x1D0] =	vst v0  }
0xe6: {  	v0 =	vld [tilespmem:s31+$0x50];
	v7 =	vmul.f32 $1.131370830e+01, v7;
	[tilespmem:s29+$0x1E0] =	vst v1  }
0xe7: {  	v1 =	vmul.f32 $1.131370830e+01, v5;
	v5 =	vld [tilespmem:s31+$0x60];
	[tilespmem:s29+$0x0] =	vst v4;
	s29 =	smov.u32 s31  }
0xe8: {  	v4 =	vmul.f32 $1.131370830e+01, v6;
	v6 =	vld [tilespmem:s31+$0x70];
	[tilespmem:s31+$0x1F0] =	vst v7  }
0xe9: {  	[tilespmem:s31+$0x10] =	vst v1;
	v1 =	vmul.f32 $1.131370830e+01, v2;
	v2 =	vld [tilespmem:s31+$0x80]  }
0xea: {  	[tilespmem:s31+$0x20] =	vst v4;
	v3 =	vmul.f32 $1.131370830e+01, v3;
	v4 =	vld [tilespmem:s31+$0x90]  }
0xeb: {  	[tilespmem:s31+$0x30] =	vst v1;
	v0 =	vmul.f32 $1.131370830e+01, v0;
	v1 =	vld [tilespmem:s31+$0xA0]  }
0xec: {  	[tilespmem:s31+$0x40] =	vst v3;
	v3 =	vmul.f32 $1.131370830e+01, v5;
	v5 =	vld [tilespmem:s31+$0xB0]  }
0xed: {  	[tilespmem:s31+$0x50] =	vst v0;
	v0 =	vmul.f32 $1.131370830e+01, v6;
	v6 =	vld [tilespmem:s31+$0xC0]  }
0xee: {  	[tilespmem:s31+$0x60] =	vst v3;
	v2 =	vmul.f32 $1.131370830e+01, v2;
	v3 =	vld [tilespmem:s31+$0xD0]  }
0xef: {  	[tilespmem:s31+$0x70] =	vst v0;
	v0 =	vmul.f32 $1.131370830e+01, v4;
	v4 =	vld [tilespmem:s31+$0xE0]  }
0xf0: {  	[tilespmem:s31+$0x80] =	vst v2;
	v1 =	vmul.f32 $1.131370830e+01, v1;
	v2 =	vld [tilespmem:s31+$0xF0]  }
0xf1: {  	[tilespmem:s31+$0x90] =	vst v0;
	v0 =	vmul.f32 $1.131370830e+01, v5;
	v5 =	vld [tilespmem:s31+$0x100]  }
0xf2: {  	[tilespmem:s31+$0xA0] =	vst v1;
	v1 =	vmul.f32 $1.131370830e+01, v6;
	v6 =	vld [tilespmem:s31+$0x110]  }
0xf3: {  	[tilespmem:s31+$0xB0] =	vst v0;
	v0 =	vmul.f32 $1.131370830e+01, v3;
	v3 =	vld [tilespmem:s31+$0x120]  }
0xf4: {  	[tilespmem:s31+$0xC0] =	vst v1;
	v1 =	vmul.f32 $1.131370830e+01, v4;
	v4 =	vld [tilespmem:s31+$0x130]  }
0xf5: {  	[tilespmem:s31+$0xD0] =	vst v0;
	v0 =	vmul.f32 $1.131370830e+01, v2;
	v2 =	vld [tilespmem:s31+$0x140]  }
0xf6: {  	[tilespmem:s31+$0xE0] =	vst v1;
	v1 =	vmul.f32 $1.131370830e+01, v5;
	v5 =	vld [tilespmem:s31+$0x150]  }
0xf7: {  	[tilespmem:s31+$0xF0] =	vst v0;
	v0 =	vmul.f32 $1.131370830e+01, v6;
	v6 =	vld [tilespmem:s31+$0x160]  }
0xf8: {  	[tilespmem:s31+$0x100] =	vst v1;
	v1 =	vmul.f32 $1.131370830e+01, v3;
	v3 =	vld [tilespmem:s31+$0x170]  }
0xf9: {  	[tilespmem:s31+$0x110] =	vst v0;
	v0 =	vmul.f32 $1.131370830e+01, v4;
	v4 =	vld [tilespmem:s31+$0x180]  }
0xfa: {  	[tilespmem:s31+$0x120] =	vst v1;
	v1 =	vmul.f32 $1.131370830e+01, v2;
	v7 =	vld [tilespmem:s31+$0x190]  }
0xfb: {  	[tilespmem:s31+$0x130] =	vst v0;
	v2 =	vmul.f32 $1.131370830e+01, v5;
	v8 =	vld [tilespmem:s31+$0x1A0]  }
.Ltmp2:
0xfc: {  	[tilespmem:s31+$0x140] =	vst v1;
	v5 =	vmul.f32 $1.131370830e+01, v6;
	v0 =	vld [tilespmem:s31+$0x1B0];
	(pc) =	sbr.rel @p1 .LBB2_7-.Ltmp2, $4  }
0xfd: {  	[tilespmem:s31+$0x150] =	vst v2;
	v3 =	vmul.f32 $1.131370830e+01, v3;
	v1 =	vld [tilespmem:s31+$0x1C0]  }
0xfe: {  	[tilespmem:s31+$0x160] =	vst v5;
	v6 =	vmul.f32 $1.131370830e+01, v4;
	v2 =	vld [tilespmem:s31+$0x1D0]  }
0xff: {  	[tilespmem:s31+$0x170] =	vst v3;
	v5 =	vmul.f32 $1.131370830e+01, v7;
	v3 =	vld [tilespmem:s31+$0x1E0]  }
0x100: {  	s31 =	sadd.s32 $0x200, s31;
	v4 =	vld [tilespmem:s29+$0x0];
	[tilespmem:s29+$0x180] =	vst v6;
	v6 =	vmul.f32 $1.131370830e+01, v8  }
0x101: {  	[tilespmem:s29+$0x190] =	vst v5;
	v0 =	vmul.f32 $1.131370830e+01, v0  }
0x102: {  	[tilespmem:s29+$0x1A0] =	vst v6;
	v1 =	vmul.f32 $1.131370830e+01, v1  }
0x103: {  	[tilespmem:s29+$0x1B0] =	vst v0;
	v0 =	vmul.f32 $1.131370830e+01, v2  }
0x104: {  	s25 =	sshll.u32 s25, $0xE;
	[tilespmem:s29+$0x1C0] =	vst v1;
	v1 =	vmul.f32 $1.131370830e+01, v3  }
0x105: {  	s25 =	sadd.s32 s6, s25;
	v2 =	vmul.f32 $1.131370830e+01, v4;
	[tilespmem:s29+$0x1D0] =	vst v0  }
0x106: {  	s25 =	sshrl.u32 s25, $0x3;
	[tilespmem:s29+$0x1E0] =	vst v1  }
0x107: {  	s25 =	sadd.s32 s3, s25;
	[tilespmem:s29+$0x0] =	vst v2  }
0x108: {  	[hbm4b:s25+s4] =	stream.linear.scatter [tilespmem:s14], [sflag:$0x7], $0x4000, $0x38;
	[tilespmem:$0x16400] =	vst v63  }
0x109: {  	_ =	swait.ge [sflag:s19], $0x4000  }
0x10a: {  	[sflag:s19] =	ssyncset.done $0x0  }
0x10b: {  	[sflag:s19] =	ssyncadd.s32 $0xFFFFC000  }
0x10c: {  	_ =	swait.ge [sflag:s20], $0x4000  }
0x10d: {  	s29 =	simm.s32 @!p0 $0xA400;
	[sflag:s20] =	ssyncset.done $0x0  }
0x10e: {  	s25 =	sadd.s32 @!p0 $0x280, s28;
	s28 =	simm.s32 @!p0 $0x80;
	[sflag:s20] =	ssyncadd.s32 $0xFFFFC000  }
0x10f: {  	[tilespmem:s29], [sflag:$0x2] =	stream.indirect.gather @!p0 [hbm4b:s2+s28], $0x80, s25, s28, $0xb8;
	[tilespmem:$0x16400] =	vst v63  }
0x110: {  	s25 =	simm.s32 $0x12400  }
0x111: {  	v0 =	vld [tilespmem:s25+$0x1F0]  }
0x112: {  	v1 =	vld [tilespmem:s25+$0x10]  }
0x113: {  	v2 =	vld [tilespmem:s25+$0x20]  }
0x114: {  	v3 =	vld [tilespmem:s25+$0x30]  }
0x115: {  	v6 =	vld [tilespmem:s25+$0x60]  }
0x116: {  	v4 =	vld [tilespmem:s25+$0x40]  }
0x117: {  	v5 =	vld [tilespmem:s25+$0x50];
	v0 =	vmul.f32 $1.131370830e+01, v0  }
0x118: {  	v8 =	vld [tilespmem:s25+$0x80];
	v1 =	vmul.f32 $1.131370830e+01, v1  }
0x119: {  	v7 =	vld [tilespmem:s25+$0x70];
	v2 =	vmul.f32 $1.131370830e+01, v2;
	[tilespmem:s25+$0x1F0] =	vst v0  }
0x11a: {  	v6 =	vmul.f32 $1.131370830e+01, v6;
	v0 =	vld [tilespmem:s25+$0x90];
	[tilespmem:s25+$0x10] =	vst v1  }
0x11b: {  	v1 =	vmul.f32 $1.131370830e+01, v3;
	v3 =	vld [tilespmem:s25+$0xA0];
	[tilespmem:s25+$0x20] =	vst v2;
	v2 =	vmul.f32 $1.131370830e+01, v4  }
0x11c: {  	[tilespmem:s25+$0x60] =	vst v6;
	v6 =	vld [tilespmem:s25+$0xF0]  }
0x11d: {  	v4 =	vld [tilespmem:s25+$0xB0];
	[tilespmem:s25+$0x40] =	vst v2;
	v2 =	vmul.f32 $1.131370830e+01, v8  }
0x11e: {  	[tilespmem:s25+$0x30] =	vst v1;
	v1 =	vmul.f32 $1.131370830e+01, v5;
	v5 =	vld [tilespmem:s25+$0xC0]  }
0x11f: {  	v8 =	vld [tilespmem:s25+$0xD0];
	[tilespmem:s25+$0x80] =	vst v2;
	v2 =	vmul.f32 $1.131370830e+01, v7  }
0x120: {  	[tilespmem:s25+$0x50] =	vst v1;
	v1 =	vld [tilespmem:s25+$0xE0];
	v0 =	vmul.f32 $1.131370830e+01, v0  }
0x121: {  	v7 =	vld [tilespmem:s25+$0x130];
	v6 =	vmul.f32 $1.131370830e+01, v6;
	[tilespmem:s25+$0x70] =	vst v2  }
0x122: {  	v2 =	vmul.f32 $1.131370830e+01, v3;
	v3 =	vld [tilespmem:s25+$0x100];
	[tilespmem:s25+$0x90] =	vst v0  }
0x123: {  	v0 =	vmul.f32 $1.131370830e+01, v4;
	v4 =	vld [tilespmem:s25+$0x110];
	[tilespmem:s25+$0xF0] =	vst v6  }
0x124: {  	[tilespmem:s25+$0xA0] =	vst v2;
	v2 =	vmul.f32 $1.131370830e+01, v5;
	v5 =	vld [tilespmem:s25+$0x120]  }
0x125: {  	v6 =	vld [tilespmem:s25+$0x180];
	[tilespmem:s25+$0xB0] =	vst v0;
	v0 =	vmul.f32 $1.131370830e+01, v8  }
0x126: {  	v1 =	vmul.f32 $1.131370830e+01, v1;
	[tilespmem:s25+$0xC0] =	vst v2;
	v2 =	vld [tilespmem:s25+$0x140]  }
0x127: {  	[tilespmem:s25+$0xD0] =	vst v0;
	v0 =	vmul.f32 $1.131370830e+01, v3  }
0x128: {  	v3 =	vld [tilespmem:s25+$0x150];
	[tilespmem:s25+$0xE0] =	vst v1;
	v4 =	vmul.f32 $1.131370830e+01, v4  }
0x129: {  	v1 =	vld [tilespmem:s25+$0x160];
	[tilespmem:s25+$0x100] =	vst v0;
	v0 =	vmul.f32 $1.131370830e+01, v5  }
0x12a: {  	v6 =	vmul.f32 $1.131370830e+01, v6;
	v5 =	vld [tilespmem:s25+$0x170];
	[tilespmem:s25+$0x110] =	vst v4  }
0x12b: {  	v4 =	vmul.f32 $1.131370830e+01, v7;
	v7 =	vld [tilespmem:s25+$0x190];
	[tilespmem:s25+$0x120] =	vst v0;
	v0 =	vmul.f32 $1.131370830e+01, v2  }
0x12c: {  	v8 =	vld [tilespmem:s25+$0x1A0];
	[tilespmem:s25+$0x180] =	vst v6  }
0x12d: {  	v2 =	vmul.f32 $1.131370830e+01, v3;
	[tilespmem:s25+$0x140] =	vst v0;
	v0 =	vld [tilespmem:s25+$0x1B0]  }
0x12e: {  	[tilespmem:s25+$0x130] =	vst v4;
	v3 =	vmul.f32 $1.131370830e+01, v1;
	v1 =	vld [tilespmem:s25+$0x1C0]  }
0x12f: {  	[tilespmem:s25+$0x150] =	vst v2;
	v4 =	vmul.f32 $1.131370830e+01, v5;
	v2 =	vld [tilespmem:s25+$0x1D0]  }
0x130: {  	[tilespmem:s25+$0x160] =	vst v3;
	v3 =	vld [tilespmem:s25+$0x1E0];
	v5 =	vmul.f32 $1.131370830e+01, v7  }
0x131: {  	s28 =	simm.s32 $0x0;
	s29 =	simm.s32 $0x12600;
	v6 =	vmul.f32 $1.131370830e+01, v8;
	[tilespmem:s25+$0x170] =	vst v4;
	v4 =	vld [tilespmem:s25+$0x0]  }
.LBB2_9:
0x132: {  	v7 =	vld [tilespmem:s29+$0x1F0];
	s28 =	sadd.s32 $0x4, s28;
	[tilespmem:s25+$0x190] =	vst v5;
	v0 =	vmul.f32 $1.131370830e+01, v0  }
0x133: {  	v5 =	vld [tilespmem:s29+$0x10];
	p0 =	slt.u32 s28, $0x7C;
	[tilespmem:s25+$0x1A0] =	vst v6;
	v1 =	vmul.f32 $1.131370830e+01, v1  }
0x134: {  	v6 =	vld [tilespmem:s29+$0x20];
	[tilespmem:s25+$0x1B0] =	vst v0;
	v0 =	vmul.f32 $1.131370830e+01, v2  }
0x135: {  	v2 =	vld [tilespmem:s29+$0x30];
	[tilespmem:s25+$0x1C0] =	vst v1;
	v1 =	vmul.f32 $1.131370830e+01, v3  }
0x136: {  	v3 =	vld [tilespmem:s29+$0x40];
	v4 =	vmul.f32 $1.131370830e+01, v4;
	[tilespmem:s25+$0x1D0] =	vst v0  }
0x137: {  	v0 =	vld [tilespmem:s29+$0x50];
	v7 =	vmul.f32 $1.131370830e+01, v7;
	[tilespmem:s25+$0x1E0] =	vst v1  }
0x138: {  	v1 =	vmul.f32 $1.131370830e+01, v5;
	v5 =	vld [tilespmem:s29+$0x60];
	[tilespmem:s25+$0x0] =	vst v4;
	s25 =	smov.u32 s29  }
0x139: {  	v4 =	vmul.f32 $1.131370830e+01, v6;
	v6 =	vld [tilespmem:s29+$0x70];
	[tilespmem:s29+$0x1F0] =	vst v7  }
0x13a: {  	[tilespmem:s29+$0x10] =	vst v1;
	v1 =	vmul.f32 $1.131370830e+01, v2;
	v2 =	vld [tilespmem:s29+$0x80]  }
0x13b: {  	[tilespmem:s29+$0x20] =	vst v4;
	v3 =	vmul.f32 $1.131370830e+01, v3;
	v4 =	vld [tilespmem:s29+$0x90]  }
0x13c: {  	[tilespmem:s29+$0x30] =	vst v1;
	v0 =	vmul.f32 $1.131370830e+01, v0;
	v1 =	vld [tilespmem:s29+$0xA0]  }
0x13d: {  	[tilespmem:s29+$0x40] =	vst v3;
	v3 =	vmul.f32 $1.131370830e+01, v5;
	v5 =	vld [tilespmem:s29+$0xB0]  }
0x13e: {  	[tilespmem:s29+$0x50] =	vst v0;
	v0 =	vmul.f32 $1.131370830e+01, v6;
	v6 =	vld [tilespmem:s29+$0xC0]  }
0x13f: {  	[tilespmem:s29+$0x60] =	vst v3;
	v2 =	vmul.f32 $1.131370830e+01, v2;
	v3 =	vld [tilespmem:s29+$0xD0]  }
0x140: {  	[tilespmem:s29+$0x70] =	vst v0;
	v0 =	vmul.f32 $1.131370830e+01, v4;
	v4 =	vld [tilespmem:s29+$0xE0]  }
0x141: {  	[tilespmem:s29+$0x80] =	vst v2;
	v1 =	vmul.f32 $1.131370830e+01, v1;
	v2 =	vld [tilespmem:s29+$0xF0]  }
0x142: {  	[tilespmem:s29+$0x90] =	vst v0;
	v0 =	vmul.f32 $1.131370830e+01, v5;
	v5 =	vld [tilespmem:s29+$0x100]  }
0x143: {  	[tilespmem:s29+$0xA0] =	vst v1;
	v1 =	vmul.f32 $1.131370830e+01, v6;
	v6 =	vld [tilespmem:s29+$0x110]  }
0x144: {  	[tilespmem:s29+$0xB0] =	vst v0;
	v0 =	vmul.f32 $1.131370830e+01, v3;
	v3 =	vld [tilespmem:s29+$0x120]  }
0x145: {  	[tilespmem:s29+$0xC0] =	vst v1;
	v1 =	vmul.f32 $1.131370830e+01, v4;
	v4 =	vld [tilespmem:s29+$0x130]  }
0x146: {  	[tilespmem:s29+$0xD0] =	vst v0;
	v0 =	vmul.f32 $1.131370830e+01, v2;
	v2 =	vld [tilespmem:s29+$0x140]  }
0x147: {  	[tilespmem:s29+$0xE0] =	vst v1;
	v1 =	vmul.f32 $1.131370830e+01, v5;
	v5 =	vld [tilespmem:s29+$0x150]  }
0x148: {  	[tilespmem:s29+$0xF0] =	vst v0;
	v0 =	vmul.f32 $1.131370830e+01, v6;
	v6 =	vld [tilespmem:s29+$0x160]  }
0x149: {  	[tilespmem:s29+$0x100] =	vst v1;
	v1 =	vmul.f32 $1.131370830e+01, v3;
	v3 =	vld [tilespmem:s29+$0x170]  }
0x14a: {  	[tilespmem:s29+$0x110] =	vst v0;
	v0 =	vmul.f32 $1.131370830e+01, v4;
	v4 =	vld [tilespmem:s29+$0x180]  }
0x14b: {  	[tilespmem:s29+$0x120] =	vst v1;
	v1 =	vmul.f32 $1.131370830e+01, v2;
	v7 =	vld [tilespmem:s29+$0x190]  }
0x14c: {  	[tilespmem:s29+$0x130] =	vst v0;
	v2 =	vmul.f32 $1.131370830e+01, v5;
	v8 =	vld [tilespmem:s29+$0x1A0]  }
.Ltmp3:
0x14d: {  	[tilespmem:s29+$0x140] =	vst v1;
	v5 =	vmul.f32 $1.131370830e+01, v6;
	v0 =	vld [tilespmem:s29+$0x1B0];
	(pc) =	sbr.rel @p0 .LBB2_9-.Ltmp3, $4  }
0x14e: {  	[tilespmem:s29+$0x150] =	vst v2;
	v3 =	vmul.f32 $1.131370830e+01, v3;
	v1 =	vld [tilespmem:s29+$0x1C0]  }
0x14f: {  	[tilespmem:s29+$0x160] =	vst v5;
	v6 =	vmul.f32 $1.131370830e+01, v4;
	v2 =	vld [tilespmem:s29+$0x1D0]  }
0x150: {  	[tilespmem:s29+$0x170] =	vst v3;
	v5 =	vmul.f32 $1.131370830e+01, v7;
	v3 =	vld [tilespmem:s29+$0x1E0]  }
0x151: {  	s29 =	sadd.s32 $0x200, s29;
	v4 =	vld [tilespmem:s25+$0x0];
	[tilespmem:s25+$0x180] =	vst v6;
	v6 =	vmul.f32 $1.131370830e+01, v8  }
0x152: {  	[tilespmem:s25+$0x190] =	vst v5;
	v0 =	vmul.f32 $1.131370830e+01, v0  }
0x153: {  	s24 =	sadd.s32 $0x1, s24;
	[tilespmem:s25+$0x1A0] =	vst v6;
	v1 =	vmul.f32 $1.131370830e+01, v1  }
0x154: {  	p0 =	sne.s32 s24, $0x32;
	[tilespmem:s25+$0x1B0] =	vst v0;
	v61 =	vmul.f32 $1.131370830e+01, v2  }
.Ltmp4:
0x155: {  	s26 =	sshll.u32 s26, $0xE;
	[tilespmem:s25+$0x1C0] =	vst v1;
	v62 =	vmul.f32 $1.131370830e+01, v3;
	(pc) =	sbr.rel @p0 .LBB2_2-.Ltmp4, $4  }
0x156: {  	s26 =	sadd.s32 s6, s26;
	v63 =	vmul.f32 $1.131370830e+01, v4;
	[tilespmem:s25+$0x1D0] =	vst v61  }
0x157: {  	s26 =	sshrl.u32 s26, $0x3;
	[tilespmem:s25+$0x1E0] =	vst v62  }
0x158: {  	s31 =	sadd.s32 s3, s26;
	[tilespmem:s25+$0x0] =	vst v63  }
0x159: {  	[hbm4b:s31+s4] =	stream.linear.scatter [tilespmem:s16], [sflag:$0x8], $0x4000, $0x38;
	[tilespmem:$0x16400] =	vst v63  }
0x15a: {  	s23 =	sadd.s32 $0x1, s23  }
0x15b: {  	_ =	swait.ge [sflag:s21], $0x4000;
	p0 =	sne.s32 s23, s7  }
.Ltmp5:
0x15c: {  	[sflag:s21] =	ssyncset.done $0x0;
	(pc) =	sbr.rel @p0 .LBB2_1-.Ltmp5, $4  }
0x15d: {  	[sflag:s21] =	ssyncadd.s32 $0xFFFFC000  }
0x15e: {  	_ =	swait.ge [sflag:s22], $0x4000  }
0x15f: {  	[sflag:s22] =	ssyncset.done $0x0  }
0x160: {  	[sflag:s22] =	ssyncadd.s32 $0xFFFFC000  }
0x161: {  	_ =	sfence.sel $0x180000  }
0x162: {  	[bflag:$0x0] =	sbarrier.arrive $0xFFFF  }
0x163: {  	p0 =	sne.s32 s0, $0x0;
	_ =	strace $0x90000047  }
0x164: {  	s0 =	sadd.s32 @!p0 $0x100000, s1;
	[bflag:$0x2] =	sbarrier.arrive $0xFFFF  }
0x165: {  	[sflag:s0] =	ssyncadd.tile.s32 @!p0 $0x1;
	_ =	shalt  }
.Lfunc_end2:
_tile_overlayer_lowered:
.L_overlay_start_2:
0x166: {  	(tag) =	ssettag $0x2  }
0x167: {  	s0 =	rddreg [dreg:$0x0];
	s2 =	stileid.u32  }
0x168: {  	s1 =	rddreg [dreg:$0x1];
	p0 =	sne.s32 s2, $0x0  }
0x169: {  	s3 =	rddreg [dreg:$0x2];
	[bflag:$0x3] =	sbarrier.arrive $0xFFFF;
	s2 =	simm.s32 @!p0 $0x1C09  }
0x16a: {  	[timem:s3], [sflag:s2] =	dma.local @!p0 [hbm:s0], s1  }
0x16b: {  	s0 =	simm.s32 @!p0 $0x9  }
0x16c: {  	_ =	swait.ge @!p0 [sflag:s0], s1  }
0x16d: {  	s1 =	ssub.s32 @!p0 $0x0, s1;
	[sflag:s0] =	ssyncset.done @!p0 $0x0  }
0x16e: {  	[sflag:s0] =	ssyncadd.s32 @!p0 s1  }
0x16f: {  	[bflag:$0x3] =	sbarrier.arrive $0xFFFF  }
0x170: {  	_ =	shalt  }

</sc_bundles>
